<compile_context>
chip_gen: v7x
topology: tpu7x:2x2x1
jax: 0.10.2.dev20260603
libtpu: 0.0.44.dev20260713+nightly
codegen_flags: <defaults>
</compile_context>

<pallas_src>
import jax
import jax.numpy as jnp
from jax import lax
from jax.experimental import pallas as pl
from jax.experimental.pallas import tpu as pltpu
from jax.experimental.pallas import tpu_sc as plsc

B = 4096
S = 200
D = 64
NC = 2
NS = 16
NW = NC * NS
BBLK = B // NW
LANES = 16
BG = BBLK // LANES
DT = D // 8
BT = B // 128


def _embed_body(idx_hbm, table_hbm, pos_hbm, out_hbm,
                idx_v, rows0, rows1, obuf0, obuf1, pos_v,
                sem_g0, sem_g1, sem_o0, sem_o1):
    rows = (rows0, rows1)
    obuf = (obuf0, obuf1)
    sem_g = (sem_g0, sem_g1)
    sem_o = (sem_o0, sem_o1)
    wid = lax.axis_index("s") * NC + lax.axis_index("c")
    pltpu.sync_copy(pos_hbm, pos_v)
    pltpu.sync_copy(idx_hbm.at[:, wid], idx_v)
    lane = lax.iota(jnp.int32, LANES)
    ri = [j * LANES + lane for j in range(BG)]

    def idx_row(s):
        return idx_v.at[lax.shift_right_logical(s, 3), jnp.bitwise_and(s, 7)]

    def fire_gather(s, ph):
        pltpu.async_copy(table_hbm.at[idx_row(s)], rows[ph], sem_g[ph])

    def wait_gather(s, ph):
        pltpu.make_async_copy(table_hbm.at[idx_row(s)], rows[ph], sem_g[ph]).wait()

    def fire_out(s, ph):
        pltpu.async_copy(obuf[ph], out_hbm.at[s, :, wid], sem_o[ph])

    def wait_out(s, ph):
        pltpu.make_async_copy(obuf[ph], out_hbm.at[s, :, wid], sem_o[ph]).wait()

    def compute(s, ph):
        rv = rows[ph]
        ov = obuf[ph]

        @plsc.parallel_loop(0, D, unroll=2)
        def _(i):
            dg = lax.shift_right_logical(i, 4)
            k = jnp.bitwise_and(i, LANES - 1)
            rot_k = jnp.bitwise_and(lane + k, LANES - 1)
            pg = pos_v[s, pl.ds(dg * LANES, LANES)]
            ck = dg * LANES + rot_k
            ckt = lax.shift_right_logical(ck, 3)
            ckr = jnp.bitwise_and(ck, 7)
            pk = pg.at[rot_k].get(mode="promise_in_bounds")
            for j in range(BG):
                vals = plsc.load_gather(rv, [ri[j], ck])
                plsc.store_scatter(ov, [ckt, ckr, ri[j]], vals + pk)

    fire_gather(0, 0)

    def s2_body(s2, carry):
        for ph in range(2):
            s = 2 * s2 + ph

            @pl.when(jnp.logical_and(s + 1 < S, s >= 1))
            def _():
                wait_out(s - 1, 1 - ph)

            @pl.when(s + 1 < S)
            def _():
                fire_gather(s + 1, 1 - ph)

            wait_gather(s, ph)
            compute(s, ph)
            fire_out(s, ph)
        return carry

    lax.fori_loop(0, S // 2, s2_body, 0)
    wait_out(S - 2, 0)
    wait_out(S - 1, 1)


def kernel(batch_seqs, item_emb, pos_weight):
    idx_t = batch_seqs.T.reshape(S // 8, 8, BT, 128).transpose(0, 2, 1, 3)
    k = pl.kernel(
        _embed_body,
        out_type=jax.ShapeDtypeStruct((S, DT, BT, 8, 128), jnp.float32),
        mesh=plsc.VectorSubcoreMesh(core_axis_name="c", subcore_axis_name="s"),
        compiler_params=pltpu.CompilerParams(
            use_tc_tiling_on_sc=False, needs_layout_passes=False
        ),
        scratch_types=[
            pltpu.VMEM((S // 8, 8, BBLK), jnp.int32),
            pltpu.VMEM((BBLK, D), jnp.float32),
            pltpu.VMEM((BBLK, D), jnp.float32),
            pltpu.VMEM((DT, 8, BBLK), jnp.float32),
            pltpu.VMEM((DT, 8, BBLK), jnp.float32),
            pltpu.VMEM((S, D), jnp.float32),
            pltpu.SemaphoreType.DMA,
            pltpu.SemaphoreType.DMA,
            pltpu.SemaphoreType.DMA,
            pltpu.SemaphoreType.DMA,
        ],
    )
    out5 = k(idx_t, item_emb, pos_weight)
    y = jnp.transpose(out5, (2, 4, 0, 1, 3))
    return y.reshape(B, S, D)

# --- scband reference (transcript-rebuilt; emitter-appended) ---
"""Pipeline reference for scband-transformer-embed-1236950581453 (READ-ONLY COPY).

The authoritative reference and input builder live on the scoring server;
editing this copy changes nothing except your own understanding.
"""

import jax, jax.numpy as jnp
import numpy as np


def setup_inputs(seed: int = 0) -> dict:
    key = jax.random.key(seed)
    k1, k2, k3 = jax.random.split(key, 3)
    batch_seqs = jax.random.randint(k1, (4096, 200), 0, 100000, dtype=jnp.int64 if jax.config.jax_enable_x64 else jnp.int32).astype(jnp.int32)
    item_emb = jax.random.normal(k2, (100000, 64), dtype=jnp.float32)
    # learned parameter: position embedding table, init N(0, 0.02)
    pos_weight = 0.02 * jax.random.normal(k3, (200, 64), dtype=jnp.float32)
    return {"batch_seqs": batch_seqs, "item_emb": item_emb, "pos_weight": pos_weight}


def reference(batch_seqs, item_emb, pos_weight):
    # pos_emb = position_emb.weight.unsqueeze(0).repeat(batch_size, 1, 1)
    batch_size = batch_seqs.shape[0]
    pos_emb = jnp.broadcast_to(pos_weight[None, :, :], (batch_size, pos_weight.shape[0], pos_weight.shape[1]))
    # x = item_emb[batch_seqs] + pos_emb  (gather over embedding table)
    x = jnp.take(item_emb, batch_seqs, axis=0) + pos_emb
    # dropout is identity in eval/deterministic mode
    return x

if __name__ == "__main__":
    import jax
    _d = setup_inputs()
    print(jax.jit(kernel)(*tuple(_d.values())))

</pallas_src>

<mosaic_0001>
#map = affine_map<(d0, d1) -> (0, 0, 0, 0)>
#map1 = affine_map<(d0, d1) -> (0, 0)>
#map2 = affine_map<(d0, d1) -> (0, 0, 0, 0, 0)>
module attributes {stable_mosaic.version = 14 : i64} {
  func.func @_embed_body(%arg0: i32, %arg1: i32, %arg2: memref<25x32x8x128xi32, #tpu.memory_space<hbm>>, %arg3: memref<100000x64xf32, #tpu.memory_space<hbm>>, %arg4: memref<200x64xf32, #tpu.memory_space<hbm>>, %arg5: memref<200x8x32x8x128xf32, #tpu.memory_space<hbm>>, %arg6: memref<25x8x128xi32, #tpu.memory_space<vmem>>, %arg7: memref<128x64xf32, #tpu.memory_space<vmem>>, %arg8: memref<128x64xf32, #tpu.memory_space<vmem>>, %arg9: memref<8x8x128xf32, #tpu.memory_space<vmem>>, %arg10: memref<8x8x128xf32, #tpu.memory_space<vmem>>, %arg11: memref<200x64xf32, #tpu.memory_space<vmem>>, %arg12: memref<!tpu.dma_semaphore, #tpu.memory_space<semaphore_mem>>, %arg13: memref<!tpu.dma_semaphore, #tpu.memory_space<semaphore_mem>>, %arg14: memref<!tpu.dma_semaphore, #tpu.memory_space<semaphore_mem>>, %arg15: memref<!tpu.dma_semaphore, #tpu.memory_space<semaphore_mem>>) attributes {dimension_semantics = [#tpu.dimension_semantics<core_parallel>, #tpu.dimension_semantics<subcore_parallel>], iteration_bounds = array<i64: 2, 16>, scalar_prefetch = 0 : i64, scratch_operands = 10 : i64, tpu.core_type = #tpu.core_type<sc_vector_subcore>, window_params = [{transform_indices = #map}, {transform_indices = #map1}, {transform_indices = #map1}, {transform_indices = #map2}]} {
    %mul3A = arith.constant 2 : i32
    %mul3A_0 = arith.muli %arg1, %mul3A : i32
    %add3A = arith.addi %mul3A_0, %arg0 : i32
    "tpu.region"() ({
      %run_scoped3A = tpu.sem_alloc : memref<!tpu.dma_semaphore, #tpu.memory_space<semaphore_mem>>
      tpu.enqueue_dma source(%arg4 : memref<200x64xf32, #tpu.memory_space<hbm>>) target(%arg11 : memref<200x64xf32, #tpu.memory_space<vmem>>) target_semaphore(%run_scoped3A : memref<!tpu.dma_semaphore, #tpu.memory_space<semaphore_mem>>)
      tpu.wait_dma2 semaphore(%run_scoped3A : memref<!tpu.dma_semaphore, #tpu.memory_space<semaphore_mem>>) src(%arg4 : memref<200x64xf32, #tpu.memory_space<hbm>>) dst(%arg11 : memref<200x64xf32, #tpu.memory_space<vmem>>)
      tpu.yield
    }) : () -> ()
    "tpu.region"() ({
      %run_scoped3A = tpu.sem_alloc : memref<!tpu.dma_semaphore, #tpu.memory_space<semaphore_mem>>
      %dma_start3A_60 = arith.constant 0 : i32
      %dma_start3A_61 = arith.constant 0 : i32
      %dma_start3A_62 = arith.constant 0 : i32
      %dma_start3A_63 = tpu.memref_slice %arg2[%dma_start3A_60, %add3A, %dma_start3A_61, %dma_start3A_62] : memref<25x32x8x128xi32, #tpu.memory_space<hbm>> -> memref<25x1x8x128xi32, #tpu.memory_space<hbm>>
      %dma_start3A_64 = tpu.memref_squeeze %dma_start3A_63 : memref<25x1x8x128xi32, #tpu.memory_space<hbm>> -> memref<25x8x128xi32, #tpu.memory_space<hbm>>
      %dma_start3A_65 = arith.constant 0 : i32
      %dma_start3A_66 = arith.constant 0 : i32
      %dma_start3A_67 = arith.constant 0 : i32
      %dma_start3A_68 = tpu.memref_slice %arg2[%dma_start3A_65, %add3A, %dma_start3A_66, %dma_start3A_67] : memref<25x32x8x128xi32, #tpu.memory_space<hbm>> -> memref<25x1x8x128xi32, #tpu.memory_space<hbm>>
      %dma_start3A_69 = tpu.memref_squeeze %dma_start3A_68 : memref<25x1x8x128xi32, #tpu.memory_space<hbm>> -> memref<25x8x128xi32, #tpu.memory_space<hbm>>
      tpu.enqueue_dma source(%dma_start3A_69 : memref<25x8x128xi32, #tpu.memory_space<hbm>>) target(%arg6 : memref<25x8x128xi32, #tpu.memory_space<vmem>>) target_semaphore(%run_scoped3A : memref<!tpu.dma_semaphore, #tpu.memory_space<semaphore_mem>>)
      %dma_wait3A_70 = arith.constant 0 : i32
      %dma_wait3A_71 = arith.constant 0 : i32
      %dma_wait3A_72 = arith.constant 0 : i32
      %dma_wait3A_73 = tpu.memref_slice %arg2[%dma_wait3A_70, %add3A, %dma_wait3A_71, %dma_wait3A_72] : memref<25x32x8x128xi32, #tpu.memory_space<hbm>> -> memref<25x1x8x128xi32, #tpu.memory_space<hbm>>
      %dma_wait3A_74 = tpu.memref_squeeze %dma_wait3A_73 : memref<25x1x8x128xi32, #tpu.memory_space<hbm>> -> memref<25x8x128xi32, #tpu.memory_space<hbm>>
      %dma_wait3A_75 = arith.constant 0 : i32
      %dma_wait3A_76 = arith.constant 0 : i32
      %dma_wait3A_77 = arith.constant 0 : i32
      %dma_wait3A_78 = tpu.memref_slice %arg2[%dma_wait3A_75, %add3A, %dma_wait3A_76, %dma_wait3A_77] : memref<25x32x8x128xi32, #tpu.memory_space<hbm>> -> memref<25x1x8x128xi32, #tpu.memory_space<hbm>>
      %dma_wait3A_79 = tpu.memref_squeeze %dma_wait3A_78 : memref<25x1x8x128xi32, #tpu.memory_space<hbm>> -> memref<25x8x128xi32, #tpu.memory_space<hbm>>
      tpu.wait_dma2 semaphore(%run_scoped3A : memref<!tpu.dma_semaphore, #tpu.memory_space<semaphore_mem>>) src(%dma_wait3A_79 : memref<25x8x128xi32, #tpu.memory_space<hbm>>) dst(%arg6 : memref<25x8x128xi32, #tpu.memory_space<vmem>>)
      tpu.yield
    }) : () -> ()
    %iota3A = tpu.iota {dimensions = array<i32: 0>} : vector<16xi32>
    %add3A_1 = arith.constant 0 : i32
    %add3A_2 = vector.broadcast %add3A_1 : i32 to vector<16xi32>
    %add3A_3 = arith.addi %add3A_2, %iota3A : vector<16xi32>
    %add3A_4 = arith.constant 16 : i32
    %add3A_5 = vector.broadcast %add3A_4 : i32 to vector<16xi32>
    %add3A_6 = arith.addi %add3A_5, %iota3A : vector<16xi32>
    %add3A_7 = arith.constant 32 : i32
    %add3A_8 = vector.broadcast %add3A_7 : i32 to vector<16xi32>
    %add3A_9 = arith.addi %add3A_8, %iota3A : vector<16xi32>
    %add3A_10 = arith.constant 48 : i32
    %add3A_11 = vector.broadcast %add3A_10 : i32 to vector<16xi32>
    %add3A_12 = arith.addi %add3A_11, %iota3A : vector<16xi32>
    %add3A_13 = arith.constant 64 : i32
    %add3A_14 = vector.broadcast %add3A_13 : i32 to vector<16xi32>
    %add3A_15 = arith.addi %add3A_14, %iota3A : vector<16xi32>
    %add3A_16 = arith.constant 80 : i32
    %add3A_17 = vector.broadcast %add3A_16 : i32 to vector<16xi32>
    %add3A_18 = arith.addi %add3A_17, %iota3A : vector<16xi32>
    %add3A_19 = arith.constant 96 : i32
    %add3A_20 = vector.broadcast %add3A_19 : i32 to vector<16xi32>
    %add3A_21 = arith.addi %add3A_20, %iota3A : vector<16xi32>
    %add3A_22 = arith.constant 112 : i32
    %add3A_23 = vector.broadcast %add3A_22 : i32 to vector<16xi32>
    %add3A_24 = arith.addi %add3A_23, %iota3A : vector<16xi32>
    %shift_right_logical3A = arith.constant 0 : i32
    %shift_right_logical3A_25 = arith.constant 3 : i32
    %shift_right_logical3A_26 = arith.shrui %shift_right_logical3A, %shift_right_logical3A_25 : i32
    %and3A = arith.constant 0 : i32
    %and3A_27 = arith.constant 7 : i32
    %and3A_28 = arith.andi %and3A, %and3A_27 : i32
    %dma_start3A = arith.constant 0 : i32
    %dma_start3A_29 = tpu.memref_slice %arg6[%shift_right_logical3A_26, %and3A_28, %dma_start3A] : memref<25x8x128xi32, #tpu.memory_space<vmem>> -> memref<1x1x128xi32, #tpu.memory_space<vmem>>
    %dma_start3A_30 = tpu.memref_squeeze %dma_start3A_29 : memref<1x1x128xi32, #tpu.memory_space<vmem>> -> memref<128xi32, #tpu.memory_space<vmem>>
    %dma_start3A_31 = arith.constant 0 : i32
    %dma_start3A_32 = arith.constant 0 : i32
    %dma_start3A_33 = tpu.memref_slice %arg3[%dma_start3A_31, %dma_start3A_32] : memref<100000x64xf32, #tpu.memory_space<hbm>> -> memref<100000x64xf32, #tpu.memory_space<hbm>>
    tpu.enqueue_indirect_dma source(%dma_start3A_33 : memref<100000x64xf32, #tpu.memory_space<hbm>>) target(%arg7 : memref<128x64xf32, #tpu.memory_space<vmem>>) offsets(%dma_start3A_30 : memref<128xi32, #tpu.memory_space<vmem>>) semaphore(%arg12 : memref<!tpu.dma_semaphore, #tpu.memory_space<semaphore_mem>>)
    %scan3A = arith.constant 0 : i32
    %scan3A_34 = arith.constant 0 : i32
    %scan3A_35 = arith.constant 100 : i32
    %scan3A_36 = arith.addi %scan3A_34, %scan3A_35 : i32
    %scan3A_37 = arith.constant 1 : i32
    scf.for %scan3A_60 = %scan3A_34 to %scan3A_36 step %scan3A_37  : i32 {
      %mul3A_61 = arith.constant 2 : i32
      %mul3A_62 = arith.muli %mul3A_61, %scan3A_60 : i32
      %add3A_63 = arith.constant 0 : i32
      %add3A_64 = arith.addi %mul3A_62, %add3A_63 : i32
      %add3A_65 = arith.constant 1 : i32
      %add3A_66 = arith.addi %add3A_64, %add3A_65 : i32
      %lt3A = arith.constant 200 : i32
      %lt3A_67 = arith.cmpi slt, %add3A_66, %lt3A : i32
      %ge3A = arith.constant 1 : i32
      %ge3A_68 = arith.cmpi sge, %add3A_64, %ge3A : i32
      %and3A_69 = arith.andi %lt3A_67, %ge3A_68 : i1
      %convert_element_type3A = arith.extui %and3A_69 : i1 to i32
      %cond3A = arith.constant 0 : i32
      %cond3A_70 = arith.cmpi ne, %convert_element_type3A, %cond3A : i32
      scf.if %cond3A_70 {
        %sub3A = arith.constant 1 : i32
        %sub3A_144 = arith.subi %add3A_64, %sub3A : i32
        %dma_wait3A_145 = arith.constant 0 : i32
        %dma_wait3A_146 = arith.constant 0 : i32
        %dma_wait3A_147 = arith.constant 0 : i32
        %dma_wait3A_148 = tpu.memref_slice %arg5[%sub3A_144, %dma_wait3A_145, %add3A, %dma_wait3A_146, %dma_wait3A_147] : memref<200x8x32x8x128xf32, #tpu.memory_space<hbm>> -> memref<1x8x1x8x128xf32, #tpu.memory_space<hbm>>
        %dma_wait3A_149 = tpu.memref_squeeze %dma_wait3A_148 : memref<1x8x1x8x128xf32, #tpu.memory_space<hbm>> -> memref<8x8x128xf32, #tpu.memory_space<hbm>>
        %dma_wait3A_150 = arith.constant 0 : i32
        %dma_wait3A_151 = arith.constant 0 : i32
        %dma_wait3A_152 = arith.constant 0 : i32
        %dma_wait3A_153 = tpu.memref_slice %arg5[%sub3A_144, %dma_wait3A_150, %add3A, %dma_wait3A_151, %dma_wait3A_152] : memref<200x8x32x8x128xf32, #tpu.memory_space<hbm>> -> memref<1x8x1x8x128xf32, #tpu.memory_space<hbm>>
        %dma_wait3A_154 = tpu.memref_squeeze %dma_wait3A_153 : memref<1x8x1x8x128xf32, #tpu.memory_space<hbm>> -> memref<8x8x128xf32, #tpu.memory_space<hbm>>
        tpu.wait_dma2 semaphore(%arg15 : memref<!tpu.dma_semaphore, #tpu.memory_space<semaphore_mem>>) src(%arg10 : memref<8x8x128xf32, #tpu.memory_space<vmem>>) dst(%dma_wait3A_154 : memref<8x8x128xf32, #tpu.memory_space<hbm>>)
      } else {
      }
      %add3A_71 = arith.constant 1 : i32
      %add3A_72 = arith.addi %add3A_64, %add3A_71 : i32
      %lt3A_73 = arith.constant 200 : i32
      %lt3A_74 = arith.cmpi slt, %add3A_72, %lt3A_73 : i32
      %convert_element_type3A_75 = arith.extui %lt3A_74 : i1 to i32
      %cond3A_76 = arith.constant 0 : i32
      %cond3A_77 = arith.cmpi ne, %convert_element_type3A_75, %cond3A_76 : i32
      scf.if %cond3A_77 {
        %add3A_144 = arith.constant 1 : i32
        %add3A_145 = arith.addi %add3A_64, %add3A_144 : i32
        %shift_right_logical3A_146 = arith.constant 3 : i32
        %shift_right_logical3A_147 = arith.shrui %add3A_145, %shift_right_logical3A_146 : i32
        %and3A_148 = arith.constant 7 : i32
        %and3A_149 = arith.andi %add3A_145, %and3A_148 : i32
        %dma_start3A_150 = arith.constant 0 : i32
        %dma_start3A_151 = tpu.memref_slice %arg6[%shift_right_logical3A_147, %and3A_149, %dma_start3A_150] : memref<25x8x128xi32, #tpu.memory_space<vmem>> -> memref<1x1x128xi32, #tpu.memory_space<vmem>>
        %dma_start3A_152 = tpu.memref_squeeze %dma_start3A_151 : memref<1x1x128xi32, #tpu.memory_space<vmem>> -> memref<128xi32, #tpu.memory_space<vmem>>
        %dma_start3A_153 = arith.constant 0 : i32
        %dma_start3A_154 = arith.constant 0 : i32
        %dma_start3A_155 = tpu.memref_slice %arg3[%dma_start3A_153, %dma_start3A_154] : memref<100000x64xf32, #tpu.memory_space<hbm>> -> memref<100000x64xf32, #tpu.memory_space<hbm>>
        tpu.enqueue_indirect_dma source(%dma_start3A_155 : memref<100000x64xf32, #tpu.memory_space<hbm>>) target(%arg8 : memref<128x64xf32, #tpu.memory_space<vmem>>) offsets(%dma_start3A_152 : memref<128xi32, #tpu.memory_space<vmem>>) semaphore(%arg13 : memref<!tpu.dma_semaphore, #tpu.memory_space<semaphore_mem>>)
      } else {
      }
      %shift_right_logical3A_78 = arith.constant 3 : i32
      %shift_right_logical3A_79 = arith.shrui %add3A_64, %shift_right_logical3A_78 : i32
      %and3A_80 = arith.constant 7 : i32
      %and3A_81 = arith.andi %add3A_64, %and3A_80 : i32
      %dma_wait3A_82 = arith.constant 0 : i32
      %dma_wait3A_83 = tpu.memref_slice %arg6[%shift_right_logical3A_79, %and3A_81, %dma_wait3A_82] : memref<25x8x128xi32, #tpu.memory_space<vmem>> -> memref<1x1x128xi32, #tpu.memory_space<vmem>>
      %dma_wait3A_84 = tpu.memref_squeeze %dma_wait3A_83 : memref<1x1x128xi32, #tpu.memory_space<vmem>> -> memref<128xi32, #tpu.memory_space<vmem>>
      %dma_wait3A_85 = arith.constant 0 : i32
      %dma_wait3A_86 = arith.constant 0 : i32
      %dma_wait3A_87 = tpu.memref_slice %arg3[%dma_wait3A_85, %dma_wait3A_86] : memref<100000x64xf32, #tpu.memory_space<hbm>> -> memref<100000x64xf32, #tpu.memory_space<hbm>>
      tpu.wait_indirect_dma semaphore(%arg12 : memref<!tpu.dma_semaphore, #tpu.memory_space<semaphore_mem>>) src(%dma_wait3A_87 : memref<100000x64xf32, #tpu.memory_space<hbm>>) dst(%arg7 : memref<128x64xf32, #tpu.memory_space<vmem>>)
      %parallel_loop3A = arith.constant 0 : i32
      %parallel_loop3A_88 = arith.constant 64 : i32
      %parallel_loop3A_89 = arith.constant 1 : i32
      scf.for %parallel_loop3A_144 = %parallel_loop3A to %parallel_loop3A_88 step %parallel_loop3A_89  : i32 {
        %parallel_loop3A_145 = arith.constant 4 : i32
        %parallel_loop3A_146 = arith.shrui %parallel_loop3A_144, %parallel_loop3A_145 : i32
        %parallel_loop3A_147 = arith.constant 15 : i32
        %parallel_loop3A_148 = arith.andi %parallel_loop3A_144, %parallel_loop3A_147 : i32
        %parallel_loop3A_149 = vector.broadcast %parallel_loop3A_148 : i32 to vector<16xi32>
        %parallel_loop3A_150 = arith.addi %iota3A, %parallel_loop3A_149 : vector<16xi32>
        %parallel_loop3A_151 = arith.constant 15 : i32
        %parallel_loop3A_152 = vector.broadcast %parallel_loop3A_151 : i32 to vector<16xi32>
        %parallel_loop3A_153 = arith.andi %parallel_loop3A_150, %parallel_loop3A_152 : vector<16xi32>
        %parallel_loop3A_154 = arith.constant 16 : i32
        %parallel_loop3A_155 = arith.muli %parallel_loop3A_146, %parallel_loop3A_154 : i32
        %parallel_loop3A_156 = arith.index_cast %add3A_64 : i32 to index
        %parallel_loop3A_157 = arith.index_cast %parallel_loop3A_155 : i32 to index
        %parallel_loop3A_158 = tpu.vector_load %arg11[%parallel_loop3A_156, %parallel_loop3A_157] {strides = array<i32>} : memref<200x64xf32, #tpu.memory_space<vmem>>, vector<16xf32>,
        %parallel_loop3A_159 = arith.constant 16 : i32
        %parallel_loop3A_160 = arith.muli %parallel_loop3A_146, %parallel_loop3A_159 : i32
        %parallel_loop3A_161 = vector.broadcast %parallel_loop3A_160 : i32 to vector<16xi32>
        %parallel_loop3A_162 = arith.addi %parallel_loop3A_161, %parallel_loop3A_153 : vector<16xi32>
        %parallel_loop3A_163 = arith.constant 3 : i32
        %parallel_loop3A_164 = vector.broadcast %parallel_loop3A_163 : i32 to vector<16xi32>
        %parallel_loop3A_165 = arith.shrui %parallel_loop3A_162, %parallel_loop3A_164 : vector<16xi32>
        %parallel_loop3A_166 = arith.constant 7 : i32
        %parallel_loop3A_167 = vector.broadcast %parallel_loop3A_166 : i32 to vector<16xi32>
        %parallel_loop3A_168 = arith.andi %parallel_loop3A_162, %parallel_loop3A_167 : vector<16xi32>
        %parallel_loop3A_169 = arith.constant 0 : i32
        %parallel_loop3A_170 = vector.broadcast %parallel_loop3A_169 : i32 to vector<16xi32>
        %parallel_loop3A_171 = arith.cmpi slt, %parallel_loop3A_153, %parallel_loop3A_170 : vector<16xi32>
        %parallel_loop3A_172 = arith.constant 16 : i32
        %parallel_loop3A_173 = vector.broadcast %parallel_loop3A_172 : i32 to vector<16xi32>
        %parallel_loop3A_174 = arith.addi %parallel_loop3A_153, %parallel_loop3A_173 : vector<16xi32>
        %parallel_loop3A_175 = arith.select %parallel_loop3A_171, %parallel_loop3A_174, %parallel_loop3A_153 : vector<16xi1>, vector<16xi32>
        %parallel_loop3A_176 = vector.shape_cast %parallel_loop3A_175 : vector<16xi32> to vector<16x1xi32>
        %parallel_loop3A_177 = vector.shape_cast %parallel_loop3A_176 : vector<16x1xi32> to vector<16xi32>
        %parallel_loop3A_178 = tpu.dynamic_gather %parallel_loop3A_158[%parallel_loop3A_177] in [0] : vector<16xf32>, vector<16xi32> -> vector<16xf32>
        %parallel_loop3A_179 = tpu.vector_load_idx %arg7[%add3A_3, %parallel_loop3A_162] : memref<128x64xf32, #tpu.memory_space<vmem>>[vector<16xi32>, vector<16xi32>], vector<16xf32>,
        %parallel_loop3A_180 = arith.addf %parallel_loop3A_179, %parallel_loop3A_178 : vector<16xf32>
        tpu.vector_store_idx %arg9[%parallel_loop3A_165, %parallel_loop3A_168, %add3A_3], %parallel_loop3A_180 : memref<8x8x128xf32, #tpu.memory_space<vmem>>[vector<16xi32>, vector<16xi32>, vector<16xi32>], vector<16xf32>,
        %parallel_loop3A_181 = tpu.vector_load_idx %arg7[%add3A_6, %parallel_loop3A_162] : memref<128x64xf32, #tpu.memory_space<vmem>>[vector<16xi32>, vector<16xi32>], vector<16xf32>,
        %parallel_loop3A_182 = arith.addf %parallel_loop3A_181, %parallel_loop3A_178 : vector<16xf32>
        tpu.vector_store_idx %arg9[%parallel_loop3A_165, %parallel_loop3A_168, %add3A_6], %parallel_loop3A_182 : memref<8x8x128xf32, #tpu.memory_space<vmem>>[vector<16xi32>, vector<16xi32>, vector<16xi32>], vector<16xf32>,
        %parallel_loop3A_183 = tpu.vector_load_idx %arg7[%add3A_9, %parallel_loop3A_162] : memref<128x64xf32, #tpu.memory_space<vmem>>[vector<16xi32>, vector<16xi32>], vector<16xf32>,
        %parallel_loop3A_184 = arith.addf %parallel_loop3A_183, %parallel_loop3A_178 : vector<16xf32>
        tpu.vector_store_idx %arg9[%parallel_loop3A_165, %parallel_loop3A_168, %add3A_9], %parallel_loop3A_184 : memref<8x8x128xf32, #tpu.memory_space<vmem>>[vector<16xi32>, vector<16xi32>, vector<16xi32>], vector<16xf32>,
        %parallel_loop3A_185 = tpu.vector_load_idx %arg7[%add3A_12, %parallel_loop3A_162] : memref<128x64xf32, #tpu.memory_space<vmem>>[vector<16xi32>, vector<16xi32>], vector<16xf32>,
        %parallel_loop3A_186 = arith.addf %parallel_loop3A_185, %parallel_loop3A_178 : vector<16xf32>
        tpu.vector_store_idx %arg9[%parallel_loop3A_165, %parallel_loop3A_168, %add3A_12], %parallel_loop3A_186 : memref<8x8x128xf32, #tpu.memory_space<vmem>>[vector<16xi32>, vector<16xi32>, vector<16xi32>], vector<16xf32>,
        %parallel_loop3A_187 = tpu.vector_load_idx %arg7[%add3A_15, %parallel_loop3A_162] : memref<128x64xf32, #tpu.memory_space<vmem>>[vector<16xi32>, vector<16xi32>], vector<16xf32>,
        %parallel_loop3A_188 = arith.addf %parallel_loop3A_187, %parallel_loop3A_178 : vector<16xf32>
        tpu.vector_store_idx %arg9[%parallel_loop3A_165, %parallel_loop3A_168, %add3A_15], %parallel_loop3A_188 : memref<8x8x128xf32, #tpu.memory_space<vmem>>[vector<16xi32>, vector<16xi32>, vector<16xi32>], vector<16xf32>,
        %parallel_loop3A_189 = tpu.vector_load_idx %arg7[%add3A_18, %parallel_loop3A_162] : memref<128x64xf32, #tpu.memory_space<vmem>>[vector<16xi32>, vector<16xi32>], vector<16xf32>,
        %parallel_loop3A_190 = arith.addf %parallel_loop3A_189, %parallel_loop3A_178 : vector<16xf32>
        tpu.vector_store_idx %arg9[%parallel_loop3A_165, %parallel_loop3A_168, %add3A_18], %parallel_loop3A_190 : memref<8x8x128xf32, #tpu.memory_space<vmem>>[vector<16xi32>, vector<16xi32>, vector<16xi32>], vector<16xf32>,
        %parallel_loop3A_191 = tpu.vector_load_idx %arg7[%add3A_21, %parallel_loop3A_162] : memref<128x64xf32, #tpu.memory_space<vmem>>[vector<16xi32>, vector<16xi32>], vector<16xf32>,
        %parallel_loop3A_192 = arith.addf %parallel_loop3A_191, %parallel_loop3A_178 : vector<16xf32>
        tpu.vector_store_idx %arg9[%parallel_loop3A_165, %parallel_loop3A_168, %add3A_21], %parallel_loop3A_192 : memref<8x8x128xf32, #tpu.memory_space<vmem>>[vector<16xi32>, vector<16xi32>, vector<16xi32>], vector<16xf32>,
        %parallel_loop3A_193 = tpu.vector_load_idx %arg7[%add3A_24, %parallel_loop3A_162] : memref<128x64xf32, #tpu.memory_space<vmem>>[vector<16xi32>, vector<16xi32>], vector<16xf32>,
        %parallel_loop3A_194 = arith.addf %parallel_loop3A_193, %parallel_loop3A_178 : vector<16xf32>
        tpu.vector_store_idx %arg9[%parallel_loop3A_165, %parallel_loop3A_168, %add3A_24], %parallel_loop3A_194 : memref<8x8x128xf32, #tpu.memory_space<vmem>>[vector<16xi32>, vector<16xi32>, vector<16xi32>], vector<16xf32>,
      } {sc.loop_unroll_factor = 2 : i64, sc.parallel_access}
      %dma_start3A_90 = arith.constant 0 : i32
      %dma_start3A_91 = arith.constant 0 : i32
      %dma_start3A_92 = arith.constant 0 : i32
      %dma_start3A_93 = tpu.memref_slice %arg5[%add3A_64, %dma_start3A_90, %add3A, %dma_start3A_91, %dma_start3A_92] : memref<200x8x32x8x128xf32, #tpu.memory_space<hbm>> -> memref<1x8x1x8x128xf32, #tpu.memory_space<hbm>>
      %dma_start3A_94 = tpu.memref_squeeze %dma_start3A_93 : memref<1x8x1x8x128xf32, #tpu.memory_space<hbm>> -> memref<8x8x128xf32, #tpu.memory_space<hbm>>
      %dma_start3A_95 = arith.constant 0 : i32
      %dma_start3A_96 = arith.constant 0 : i32
      %dma_start3A_97 = arith.constant 0 : i32
      %dma_start3A_98 = tpu.memref_slice %arg5[%add3A_64, %dma_start3A_95, %add3A, %dma_start3A_96, %dma_start3A_97] : memref<200x8x32x8x128xf32, #tpu.memory_space<hbm>> -> memref<1x8x1x8x128xf32, #tpu.memory_space<hbm>>
      %dma_start3A_99 = tpu.memref_squeeze %dma_start3A_98 : memref<1x8x1x8x128xf32, #tpu.memory_space<hbm>> -> memref<8x8x128xf32, #tpu.memory_space<hbm>>
      tpu.enqueue_dma source(%arg9 : memref<8x8x128xf32, #tpu.memory_space<vmem>>) target(%dma_start3A_99 : memref<8x8x128xf32, #tpu.memory_space<hbm>>) target_semaphore(%arg14 : memref<!tpu.dma_semaphore, #tpu.memory_space<semaphore_mem>>)
      %mul3A_100 = arith.constant 2 : i32
      %mul3A_101 = arith.muli %mul3A_100, %scan3A_60 : i32
      %add3A_102 = arith.constant 1 : i32
      %add3A_103 = arith.addi %mul3A_101, %add3A_102 : i32
      %add3A_104 = arith.constant 1 : i32
      %add3A_105 = arith.addi %add3A_103, %add3A_104 : i32
      %lt3A_106 = arith.constant 200 : i32
      %lt3A_107 = arith.cmpi slt, %add3A_105, %lt3A_106 : i32
      %ge3A_108 = arith.constant 1 : i32
      %ge3A_109 = arith.cmpi sge, %add3A_103, %ge3A_108 : i32
      %and3A_110 = arith.andi %lt3A_107, %ge3A_109 : i1
      %convert_element_type3A_111 = arith.extui %and3A_110 : i1 to i32
      %cond3A_112 = arith.constant 0 : i32
      %cond3A_113 = arith.cmpi ne, %convert_element_type3A_111, %cond3A_112 : i32
      scf.if %cond3A_113 {
        %sub3A = arith.constant 1 : i32
        %sub3A_144 = arith.subi %add3A_103, %sub3A : i32
        %dma_wait3A_145 = arith.constant 0 : i32
        %dma_wait3A_146 = arith.constant 0 : i32
        %dma_wait3A_147 = arith.constant 0 : i32
        %dma_wait3A_148 = tpu.memref_slice %arg5[%sub3A_144, %dma_wait3A_145, %add3A, %dma_wait3A_146, %dma_wait3A_147] : memref<200x8x32x8x128xf32, #tpu.memory_space<hbm>> -> memref<1x8x1x8x128xf32, #tpu.memory_space<hbm>>
        %dma_wait3A_149 = tpu.memref_squeeze %dma_wait3A_148 : memref<1x8x1x8x128xf32, #tpu.memory_space<hbm>> -> memref<8x8x128xf32, #tpu.memory_space<hbm>>
        %dma_wait3A_150 = arith.constant 0 : i32
        %dma_wait3A_151 = arith.constant 0 : i32
        %dma_wait3A_152 = arith.constant 0 : i32
        %dma_wait3A_153 = tpu.memref_slice %arg5[%sub3A_144, %dma_wait3A_150, %add3A, %dma_wait3A_151, %dma_wait3A_152] : memref<200x8x32x8x128xf32, #tpu.memory_space<hbm>> -> memref<1x8x1x8x128xf32, #tpu.memory_space<hbm>>
        %dma_wait3A_154 = tpu.memref_squeeze %dma_wait3A_153 : memref<1x8x1x8x128xf32, #tpu.memory_space<hbm>> -> memref<8x8x128xf32, #tpu.memory_space<hbm>>
        tpu.wait_dma2 semaphore(%arg14 : memref<!tpu.dma_semaphore, #tpu.memory_space<semaphore_mem>>) src(%arg9 : memref<8x8x128xf32, #tpu.memory_space<vmem>>) dst(%dma_wait3A_154 : memref<8x8x128xf32, #tpu.memory_space<hbm>>)
      } else {
      }
      %add3A_114 = arith.constant 1 : i32
      %add3A_115 = arith.addi %add3A_103, %add3A_114 : i32
      %lt3A_116 = arith.constant 200 : i32
      %lt3A_117 = arith.cmpi slt, %add3A_115, %lt3A_116 : i32
      %convert_element_type3A_118 = arith.extui %lt3A_117 : i1 to i32
      %cond3A_119 = arith.constant 0 : i32
      %cond3A_120 = arith.cmpi ne, %convert_element_type3A_118, %cond3A_119 : i32
      scf.if %cond3A_120 {
        %add3A_144 = arith.constant 1 : i32
        %add3A_145 = arith.addi %add3A_103, %add3A_144 : i32
        %shift_right_logical3A_146 = arith.constant 3 : i32
        %shift_right_logical3A_147 = arith.shrui %add3A_145, %shift_right_logical3A_146 : i32
        %and3A_148 = arith.constant 7 : i32
        %and3A_149 = arith.andi %add3A_145, %and3A_148 : i32
        %dma_start3A_150 = arith.constant 0 : i32
        %dma_start3A_151 = tpu.memref_slice %arg6[%shift_right_logical3A_147, %and3A_149, %dma_start3A_150] : memref<25x8x128xi32, #tpu.memory_space<vmem>> -> memref<1x1x128xi32, #tpu.memory_space<vmem>>
        %dma_start3A_152 = tpu.memref_squeeze %dma_start3A_151 : memref<1x1x128xi32, #tpu.memory_space<vmem>> -> memref<128xi32, #tpu.memory_space<vmem>>
        %dma_start3A_153 = arith.constant 0 : i32
        %dma_start3A_154 = arith.constant 0 : i32
        %dma_start3A_155 = tpu.memref_slice %arg3[%dma_start3A_153, %dma_start3A_154] : memref<100000x64xf32, #tpu.memory_space<hbm>> -> memref<100000x64xf32, #tpu.memory_space<hbm>>
        tpu.enqueue_indirect_dma source(%dma_start3A_155 : memref<100000x64xf32, #tpu.memory_space<hbm>>) target(%arg7 : memref<128x64xf32, #tpu.memory_space<vmem>>) offsets(%dma_start3A_152 : memref<128xi32, #tpu.memory_space<vmem>>) semaphore(%arg12 : memref<!tpu.dma_semaphore, #tpu.memory_space<semaphore_mem>>)
      } else {
      }
      %shift_right_logical3A_121 = arith.constant 3 : i32
      %shift_right_logical3A_122 = arith.shrui %add3A_103, %shift_right_logical3A_121 : i32
      %and3A_123 = arith.constant 7 : i32
      %and3A_124 = arith.andi %add3A_103, %and3A_123 : i32
      %dma_wait3A_125 = arith.constant 0 : i32
      %dma_wait3A_126 = tpu.memref_slice %arg6[%shift_right_logical3A_122, %and3A_124, %dma_wait3A_125] : memref<25x8x128xi32, #tpu.memory_space<vmem>> -> memref<1x1x128xi32, #tpu.memory_space<vmem>>
      %dma_wait3A_127 = tpu.memref_squeeze %dma_wait3A_126 : memref<1x1x128xi32, #tpu.memory_space<vmem>> -> memref<128xi32, #tpu.memory_space<vmem>>
      %dma_wait3A_128 = arith.constant 0 : i32
      %dma_wait3A_129 = arith.constant 0 : i32
      %dma_wait3A_130 = tpu.memref_slice %arg3[%dma_wait3A_128, %dma_wait3A_129] : memref<100000x64xf32, #tpu.memory_space<hbm>> -> memref<100000x64xf32, #tpu.memory_space<hbm>>
      tpu.wait_indirect_dma semaphore(%arg13 : memref<!tpu.dma_semaphore, #tpu.memory_space<semaphore_mem>>) src(%dma_wait3A_130 : memref<100000x64xf32, #tpu.memory_space<hbm>>) dst(%arg8 : memref<128x64xf32, #tpu.memory_space<vmem>>)
      %parallel_loop3A_131 = arith.constant 0 : i32
      %parallel_loop3A_132 = arith.constant 64 : i32
      %parallel_loop3A_133 = arith.constant 1 : i32
      scf.for %parallel_loop3A_144 = %parallel_loop3A_131 to %parallel_loop3A_132 step %parallel_loop3A_133  : i32 {
        %parallel_loop3A_145 = arith.constant 4 : i32
        %parallel_loop3A_146 = arith.shrui %parallel_loop3A_144, %parallel_loop3A_145 : i32
        %parallel_loop3A_147 = arith.constant 15 : i32
        %parallel_loop3A_148 = arith.andi %parallel_loop3A_144, %parallel_loop3A_147 : i32
        %parallel_loop3A_149 = vector.broadcast %parallel_loop3A_148 : i32 to vector<16xi32>
        %parallel_loop3A_150 = arith.addi %iota3A, %parallel_loop3A_149 : vector<16xi32>
        %parallel_loop3A_151 = arith.constant 15 : i32
        %parallel_loop3A_152 = vector.broadcast %parallel_loop3A_151 : i32 to vector<16xi32>
        %parallel_loop3A_153 = arith.andi %parallel_loop3A_150, %parallel_loop3A_152 : vector<16xi32>
        %parallel_loop3A_154 = arith.constant 16 : i32
        %parallel_loop3A_155 = arith.muli %parallel_loop3A_146, %parallel_loop3A_154 : i32
        %parallel_loop3A_156 = arith.index_cast %add3A_103 : i32 to index
        %parallel_loop3A_157 = arith.index_cast %parallel_loop3A_155 : i32 to index
        %parallel_loop3A_158 = tpu.vector_load %arg11[%parallel_loop3A_156, %parallel_loop3A_157] {strides = array<i32>} : memref<200x64xf32, #tpu.memory_space<vmem>>, vector<16xf32>,
        %parallel_loop3A_159 = arith.constant 16 : i32
        %parallel_loop3A_160 = arith.muli %parallel_loop3A_146, %parallel_loop3A_159 : i32
        %parallel_loop3A_161 = vector.broadcast %parallel_loop3A_160 : i32 to vector<16xi32>
        %parallel_loop3A_162 = arith.addi %parallel_loop3A_161, %parallel_loop3A_153 : vector<16xi32>
        %parallel_loop3A_163 = arith.constant 3 : i32
        %parallel_loop3A_164 = vector.broadcast %parallel_loop3A_163 : i32 to vector<16xi32>
        %parallel_loop3A_165 = arith.shrui %parallel_loop3A_162, %parallel_loop3A_164 : vector<16xi32>
        %parallel_loop3A_166 = arith.constant 7 : i32
        %parallel_loop3A_167 = vector.broadcast %parallel_loop3A_166 : i32 to vector<16xi32>
        %parallel_loop3A_168 = arith.andi %parallel_loop3A_162, %parallel_loop3A_167 : vector<16xi32>
        %parallel_loop3A_169 = arith.constant 0 : i32
        %parallel_loop3A_170 = vector.broadcast %parallel_loop3A_169 : i32 to vector<16xi32>
        %parallel_loop3A_171 = arith.cmpi slt, %parallel_loop3A_153, %parallel_loop3A_170 : vector<16xi32>
        %parallel_loop3A_172 = arith.constant 16 : i32
        %parallel_loop3A_173 = vector.broadcast %parallel_loop3A_172 : i32 to vector<16xi32>
        %parallel_loop3A_174 = arith.addi %parallel_loop3A_153, %parallel_loop3A_173 : vector<16xi32>
        %parallel_loop3A_175 = arith.select %parallel_loop3A_171, %parallel_loop3A_174, %parallel_loop3A_153 : vector<16xi1>, vector<16xi32>
        %parallel_loop3A_176 = vector.shape_cast %parallel_loop3A_175 : vector<16xi32> to vector<16x1xi32>
        %parallel_loop3A_177 = vector.shape_cast %parallel_loop3A_176 : vector<16x1xi32> to vector<16xi32>
        %parallel_loop3A_178 = tpu.dynamic_gather %parallel_loop3A_158[%parallel_loop3A_177] in [0] : vector<16xf32>, vector<16xi32> -> vector<16xf32>
        %parallel_loop3A_179 = tpu.vector_load_idx %arg8[%add3A_3, %parallel_loop3A_162] : memref<128x64xf32, #tpu.memory_space<vmem>>[vector<16xi32>, vector<16xi32>], vector<16xf32>,
        %parallel_loop3A_180 = arith.addf %parallel_loop3A_179, %parallel_loop3A_178 : vector<16xf32>
        tpu.vector_store_idx %arg10[%parallel_loop3A_165, %parallel_loop3A_168, %add3A_3], %parallel_loop3A_180 : memref<8x8x128xf32, #tpu.memory_space<vmem>>[vector<16xi32>, vector<16xi32>, vector<16xi32>], vector<16xf32>,
        %parallel_loop3A_181 = tpu.vector_load_idx %arg8[%add3A_6, %parallel_loop3A_162] : memref<128x64xf32, #tpu.memory_space<vmem>>[vector<16xi32>, vector<16xi32>], vector<16xf32>,
        %parallel_loop3A_182 = arith.addf %parallel_loop3A_181, %parallel_loop3A_178 : vector<16xf32>
        tpu.vector_store_idx %arg10[%parallel_loop3A_165, %parallel_loop3A_168, %add3A_6], %parallel_loop3A_182 : memref<8x8x128xf32, #tpu.memory_space<vmem>>[vector<16xi32>, vector<16xi32>, vector<16xi32>], vector<16xf32>,
        %parallel_loop3A_183 = tpu.vector_load_idx %arg8[%add3A_9, %parallel_loop3A_162] : memref<128x64xf32, #tpu.memory_space<vmem>>[vector<16xi32>, vector<16xi32>], vector<16xf32>,
        %parallel_loop3A_184 = arith.addf %parallel_loop3A_183, %parallel_loop3A_178 : vector<16xf32>
        tpu.vector_store_idx %arg10[%parallel_loop3A_165, %parallel_loop3A_168, %add3A_9], %parallel_loop3A_184 : memref<8x8x128xf32, #tpu.memory_space<vmem>>[vector<16xi32>, vector<16xi32>, vector<16xi32>], vector<16xf32>,
        %parallel_loop3A_185 = tpu.vector_load_idx %arg8[%add3A_12, %parallel_loop3A_162] : memref<128x64xf32, #tpu.memory_space<vmem>>[vector<16xi32>, vector<16xi32>], vector<16xf32>,
        %parallel_loop3A_186 = arith.addf %parallel_loop3A_185, %parallel_loop3A_178 : vector<16xf32>
        tpu.vector_store_idx %arg10[%parallel_loop3A_165, %parallel_loop3A_168, %add3A_12], %parallel_loop3A_186 : memref<8x8x128xf32, #tpu.memory_space<vmem>>[vector<16xi32>, vector<16xi32>, vector<16xi32>], vector<16xf32>,
        %parallel_loop3A_187 = tpu.vector_load_idx %arg8[%add3A_15, %parallel_loop3A_162] : memref<128x64xf32, #tpu.memory_space<vmem>>[vector<16xi32>, vector<16xi32>], vector<16xf32>,
        %parallel_loop3A_188 = arith.addf %parallel_loop3A_187, %parallel_loop3A_178 : vector<16xf32>
        tpu.vector_store_idx %arg10[%parallel_loop3A_165, %parallel_loop3A_168, %add3A_15], %parallel_loop3A_188 : memref<8x8x128xf32, #tpu.memory_space<vmem>>[vector<16xi32>, vector<16xi32>, vector<16xi32>], vector<16xf32>,
        %parallel_loop3A_189 = tpu.vector_load_idx %arg8[%add3A_18, %parallel_loop3A_162] : memref<128x64xf32, #tpu.memory_space<vmem>>[vector<16xi32>, vector<16xi32>], vector<16xf32>,
        %parallel_loop3A_190 = arith.addf %parallel_loop3A_189, %parallel_loop3A_178 : vector<16xf32>
        tpu.vector_store_idx %arg10[%parallel_loop3A_165, %parallel_loop3A_168, %add3A_18], %parallel_loop3A_190 : memref<8x8x128xf32, #tpu.memory_space<vmem>>[vector<16xi32>, vector<16xi32>, vector<16xi32>], vector<16xf32>,
        %parallel_loop3A_191 = tpu.vector_load_idx %arg8[%add3A_21, %parallel_loop3A_162] : memref<128x64xf32, #tpu.memory_space<vmem>>[vector<16xi32>, vector<16xi32>], vector<16xf32>,
        %parallel_loop3A_192 = arith.addf %parallel_loop3A_191, %parallel_loop3A_178 : vector<16xf32>
        tpu.vector_store_idx %arg10[%parallel_loop3A_165, %parallel_loop3A_168, %add3A_21], %parallel_loop3A_192 : memref<8x8x128xf32, #tpu.memory_space<vmem>>[vector<16xi32>, vector<16xi32>, vector<16xi32>], vector<16xf32>,
        %parallel_loop3A_193 = tpu.vector_load_idx %arg8[%add3A_24, %parallel_loop3A_162] : memref<128x64xf32, #tpu.memory_space<vmem>>[vector<16xi32>, vector<16xi32>], vector<16xf32>,
        %parallel_loop3A_194 = arith.addf %parallel_loop3A_193, %parallel_loop3A_178 : vector<16xf32>
        tpu.vector_store_idx %arg10[%parallel_loop3A_165, %parallel_loop3A_168, %add3A_24], %parallel_loop3A_194 : memref<8x8x128xf32, #tpu.memory_space<vmem>>[vector<16xi32>, vector<16xi32>, vector<16xi32>], vector<16xf32>,
      } {sc.loop_unroll_factor = 2 : i64, sc.parallel_access}
      %dma_start3A_134 = arith.constant 0 : i32
      %dma_start3A_135 = arith.constant 0 : i32
      %dma_start3A_136 = arith.constant 0 : i32
      %dma_start3A_137 = tpu.memref_slice %arg5[%add3A_103, %dma_start3A_134, %add3A, %dma_start3A_135, %dma_start3A_136] : memref<200x8x32x8x128xf32, #tpu.memory_space<hbm>> -> memref<1x8x1x8x128xf32, #tpu.memory_space<hbm>>
      %dma_start3A_138 = tpu.memref_squeeze %dma_start3A_137 : memref<1x8x1x8x128xf32, #tpu.memory_space<hbm>> -> memref<8x8x128xf32, #tpu.memory_space<hbm>>
      %dma_start3A_139 = arith.constant 0 : i32
      %dma_start3A_140 = arith.constant 0 : i32
      %dma_start3A_141 = arith.constant 0 : i32
      %dma_start3A_142 = tpu.memref_slice %arg5[%add3A_103, %dma_start3A_139, %add3A, %dma_start3A_140, %dma_start3A_141] : memref<200x8x32x8x128xf32, #tpu.memory_space<hbm>> -> memref<1x8x1x8x128xf32, #tpu.memory_space<hbm>>
      %dma_start3A_143 = tpu.memref_squeeze %dma_start3A_142 : memref<1x8x1x8x128xf32, #tpu.memory_space<hbm>> -> memref<8x8x128xf32, #tpu.memory_space<hbm>>
      tpu.enqueue_dma source(%arg10 : memref<8x8x128xf32, #tpu.memory_space<vmem>>) target(%dma_start3A_143 : memref<8x8x128xf32, #tpu.memory_space<hbm>>) target_semaphore(%arg15 : memref<!tpu.dma_semaphore, #tpu.memory_space<semaphore_mem>>)
    }
    %scan3A_38 = arith.constant 100 : i32
    %dma_wait3A = arith.constant 198 : i32
    %dma_wait3A_39 = arith.constant 0 : i32
    %dma_wait3A_40 = arith.constant 0 : i32
    %dma_wait3A_41 = arith.constant 0 : i32
    %dma_wait3A_42 = tpu.memref_slice %arg5[%dma_wait3A, %dma_wait3A_39, %add3A, %dma_wait3A_40, %dma_wait3A_41] : memref<200x8x32x8x128xf32, #tpu.memory_space<hbm>> -> memref<1x8x1x8x128xf32, #tpu.memory_space<hbm>>
    %dma_wait3A_43 = tpu.memref_squeeze %dma_wait3A_42 : memref<1x8x1x8x128xf32, #tpu.memory_space<hbm>> -> memref<8x8x128xf32, #tpu.memory_space<hbm>>
    %dma_wait3A_44 = arith.constant 0 : i32
    %dma_wait3A_45 = arith.constant 0 : i32
    %dma_wait3A_46 = arith.constant 0 : i32
    %dma_wait3A_47 = tpu.memref_slice %arg5[%dma_wait3A, %dma_wait3A_44, %add3A, %dma_wait3A_45, %dma_wait3A_46] : memref<200x8x32x8x128xf32, #tpu.memory_space<hbm>> -> memref<1x8x1x8x128xf32, #tpu.memory_space<hbm>>
    %dma_wait3A_48 = tpu.memref_squeeze %dma_wait3A_47 : memref<1x8x1x8x128xf32, #tpu.memory_space<hbm>> -> memref<8x8x128xf32, #tpu.memory_space<hbm>>
    tpu.wait_dma2 semaphore(%arg14 : memref<!tpu.dma_semaphore, #tpu.memory_space<semaphore_mem>>) src(%arg9 : memref<8x8x128xf32, #tpu.memory_space<vmem>>) dst(%dma_wait3A_48 : memref<8x8x128xf32, #tpu.memory_space<hbm>>)
    %dma_wait3A_49 = arith.constant 199 : i32
    %dma_wait3A_50 = arith.constant 0 : i32
    %dma_wait3A_51 = arith.constant 0 : i32
    %dma_wait3A_52 = arith.constant 0 : i32
    %dma_wait3A_53 = tpu.memref_slice %arg5[%dma_wait3A_49, %dma_wait3A_50, %add3A, %dma_wait3A_51, %dma_wait3A_52] : memref<200x8x32x8x128xf32, #tpu.memory_space<hbm>> -> memref<1x8x1x8x128xf32, #tpu.memory_space<hbm>>
    %dma_wait3A_54 = tpu.memref_squeeze %dma_wait3A_53 : memref<1x8x1x8x128xf32, #tpu.memory_space<hbm>> -> memref<8x8x128xf32, #tpu.memory_space<hbm>>
    %dma_wait3A_55 = arith.constant 0 : i32
    %dma_wait3A_56 = arith.constant 0 : i32
    %dma_wait3A_57 = arith.constant 0 : i32
    %dma_wait3A_58 = tpu.memref_slice %arg5[%dma_wait3A_49, %dma_wait3A_55, %add3A, %dma_wait3A_56, %dma_wait3A_57] : memref<200x8x32x8x128xf32, #tpu.memory_space<hbm>> -> memref<1x8x1x8x128xf32, #tpu.memory_space<hbm>>
    %dma_wait3A_59 = tpu.memref_squeeze %dma_wait3A_58 : memref<1x8x1x8x128xf32, #tpu.memory_space<hbm>> -> memref<8x8x128xf32, #tpu.memory_space<hbm>>
    tpu.wait_dma2 semaphore(%arg15 : memref<!tpu.dma_semaphore, #tpu.memory_space<semaphore_mem>>) src(%arg10 : memref<8x8x128xf32, #tpu.memory_space<vmem>>) dst(%dma_wait3A_59 : memref<8x8x128xf32, #tpu.memory_space<hbm>>)
    return
  }
}

</mosaic_0001>

<sc_bundles>
// kernel: kernel.3.cloned.1.call-start
scs
__scs_entry_jumppad:
0x0: {  	(pc) =	sbr.rel $0x88, $3  }
0x1: {  	(tag) =	ssettag $0x0;
	lr =	simm.s32 $0x1  }
0x2: {  	[smem:$0x3F9E] =	sst lr;
	_ =	strace $0xD0000000  }
0x3: {  	_ = 	snop  }
0x4: {  	_ = 	snop  }
0x5: {  	_ = 	snop  }
0x6: {  	_ = 	snop  }
0x7: {  	_ = 	snop  }
__scs_overlays_trampoline_lowered:
0x8: {  	[smem:$0x3FAD] =	sst s0  }
0x9: {  	[smem:$0x3FAE] =	sst s1  }
0xa: {  	[smem:$0x3FAF] =	sst s2  }
0xb: {  	[smem:$0x3FB0] =	sst s3  }
0xc: {  	[smem:$0x3FB1] =	sst s4  }
0xd: {  	[smem:$0x3FB2] =	sst s5  }
0xe: {  	[smem:$0x3FB3] =	sst s6  }
0xf: {  	[smem:$0x3FB4] =	sst s7  }
0x10: {  	[smem:$0x3FB5] =	sst s8  }
0x11: {  	[smem:$0x3FB6] =	sst s9;
	s0 =	simm.s32 @!p0 $0x0  }
0x12: {  	s1 =	sld [smem:$0x3F9C];
	s0 =	simm.s32 @p0 $0x1  }
0x13: {  	[smem:$0x3FB7] =	sst s0;
	s0 =	simm.s32 @!p1 $0x0  }
0x14: {  	s2 =	sld [smem:$0x3F9B];
	s0 =	simm.s32 @p1 $0x1  }
0x15: {  	[smem:$0x3FB8] =	sst s0;
	s0 =	simm.s32 @!p2 $0x0  }
0x16: {  	s3 =	sld [smem:$0x3FDB];
	s0 =	simm.s32 @p2 $0x1  }
0x17: {  	s4 =	simm.s32 $0x1BF5;
	[smem:$0x3FBA] =	sst s0  }
0x18: {  	s0 =	sld [smem:$0x3F9D];
	_ =	swait.ge [sflag:s4], $0x0  }
0x19: {  	s7 =	sld [smem:$0x3F9E]  }
0x1a: {  	s8 =	sadd.s32 $0xFFFFE003, lr  }
0x1b: {  	s9 =	sadd.s32 $0xFFFFFEF7, lr;
	s5 =	simm.s32 $0xFFFFFFFF;
	p2 =	slt.u32 s8, $0xFFFFF086  }
0x1c: {  	p1 =	slt.u32 s9, $0xF7A;
	s5 =	simm.s32 @!p2 $0x0  }
0x1d: {  	s5 =	simm.s32 @p1 $0x1;
	p0 =	seq.s32 s7, s2  }
0x1e: {  	s7 =	smul.u32 @!p0 $0xF7A, s2;
	p2 =	seq.s32 @!p0 s5, $0x0  }
0x1f: {  	s9 =	smul.u32 $0xF7A, s1;
	s8 =	simm.s32 @!p0 $0x1BF5;
	p2 =	por !p2, p0  }
0x20: {  	[sflag:s8] =	ssyncset.s32 @!p0 $0xFFFFF086;
	s6 =	sadd.s32 @!p0 s3, s7;
	s7 =	simm.s32 @!p0 $0x108  }
0x21: {  	s3 =	sadd.s32 s3, s9;
	s6 =	sadd.s32 @!p0 $0x88, s6;
	s7 =	simm.s32 @p2 $0x1082  }
0x22: {  	[simem:s7], [sflag:s8] =	dma.local @!p0 [hbm:s6], $0xF7A  }
0x23: {  	s9 =	sor.u32 $0xD0000000, s2;
	s6 =	simm.s32 $0x108;
	_ =	swait.ge @!p0 [sflag:s8], $0x0  }
0x24: {  	s3 =	sadd.s32 $0x88, s3;
	s6 =	simm.s32 @!p1 $0x1082;
	[sflag:s4] =	ssyncset.s32 $0xFFFFF086  }
0x25: {  	[simem:s6], [sflag:s4] =	dma.local [hbm:s3], $0xF7A  }
0x26: {  	[smem:$0x3F9E] =	sst s1;
	(tag) =	ssettag s2;
	_ =	strace s9  }
0x27: {  	s1 =	sld [smem:$0x3FAE]  }
0x28: {  	s2 =	sld [smem:$0x3FAF]  }
0x29: {  	s4 =	sld [smem:$0x3FB1]  }
0x2a: {  	p0 =	seq.s32 s5, $0x0;
	s5 =	sld [smem:$0x3FB2]  }
0x2b: {  	s6 =	sld [smem:$0x3FB3]  }
0x2c: {  	s7 =	sld [smem:$0x3FB4]  }
0x2d: {  	s3 =	simm.s32 $0x108;
	s8 =	sld [smem:$0x3FB5]  }
0x2e: {  	s3 =	simm.s32 @!p0 $0x1082;
	s9 =	sld [smem:$0x3FB6]  }
0x2f: {  	lr =	sadd.s32 s0, s3;
	s0 =	sld [smem:$0x3FAD]  }
0x30: {  	s3 =	sld [smem:$0x3FB0]  }
0x31: {  	[smem:$0x3FB9] =	sst s10  }
0x32: {  	s10 =	sld [smem:$0x3FB7];
	_ =	sdelay $0x3  }
0x33: {  	p0 =	seq.s32 s10, $0x1;
	s10 =	sld [smem:$0x3FB9];
	_ =	sdelay $0x3  }
0x34: {  	[smem:$0x3FB9] =	sst s10  }
0x35: {  	s10 =	sld [smem:$0x3FB8];
	_ =	sdelay $0x3  }
0x36: {  	p1 =	seq.s32 s10, $0x1;
	s10 =	sld [smem:$0x3FB9];
	_ =	sdelay $0x3  }
0x37: {  	[smem:$0x3FB9] =	sst s10  }
0x38: {  	s10 =	sld [smem:$0x3FBA]  }
0x39: {  	_ = 	snop;
	(pc) =	sbr.ind lr, $3  }
0x3a: {  	_ = 	snop  }
0x3b: {  	_ = 	snop  }
0x3c: {  	p2 =	seq.s32 s10, $0x1;
	s10 =	sld [smem:$0x3FB9]  }
0x3d: {  	_ =	shalt  }
0x3e: {  	_ =	shalt  }
0x3f: {  	_ =	shalt  }
0x40: {  	_ =	shalt  }
0x41: {  	_ =	shalt  }
0x42: {  	_ =	shalt  }
0x43: {  	_ =	shalt  }
0x44: {  	_ =	shalt  }
0x45: {  	_ =	shalt  }
0x46: {  	_ =	shalt  }
0x47: {  	_ =	shalt  }
0x48: {  	_ =	shalt  }
0x49: {  	_ =	shalt  }
0x4a: {  	_ =	shalt  }
0x4b: {  	_ =	shalt  }
0x4c: {  	_ =	shalt  }
0x4d: {  	_ =	shalt  }
0x4e: {  	_ =	shalt  }
0x4f: {  	_ =	shalt  }
0x50: {  	_ =	shalt  }
0x51: {  	_ =	shalt  }
0x52: {  	_ =	shalt  }
0x53: {  	_ =	shalt  }
0x54: {  	_ =	shalt  }
0x55: {  	_ =	shalt  }
0x56: {  	_ =	shalt  }
0x57: {  	_ =	shalt  }
0x58: {  	_ =	shalt  }
0x59: {  	_ =	shalt  }
0x5a: {  	_ =	shalt  }
0x5b: {  	_ =	shalt  }
0x5c: {  	_ =	shalt  }
0x5d: {  	_ =	shalt  }
0x5e: {  	_ =	shalt  }
0x5f: {  	_ =	shalt  }
0x60: {  	_ =	shalt  }
0x61: {  	_ =	shalt  }
0x62: {  	_ =	shalt  }
0x63: {  	_ =	shalt  }
0x64: {  	_ =	shalt  }
0x65: {  	_ =	shalt  }
0x66: {  	_ =	shalt  }
0x67: {  	_ =	shalt  }
0x68: {  	_ =	shalt  }
0x69: {  	_ =	shalt  }
0x6a: {  	_ =	shalt  }
0x6b: {  	_ =	shalt  }
0x6c: {  	_ =	shalt  }
0x6d: {  	_ =	shalt  }
0x6e: {  	_ =	shalt  }
0x6f: {  	_ =	shalt  }
0x70: {  	_ =	shalt  }
0x71: {  	_ =	shalt  }
0x72: {  	_ =	shalt  }
0x73: {  	_ =	shalt  }
0x74: {  	_ =	shalt  }
0x75: {  	_ =	shalt  }
0x76: {  	_ =	shalt  }
0x77: {  	_ =	shalt  }
0x78: {  	_ =	shalt  }
0x79: {  	_ =	shalt  }
0x7a: {  	_ =	shalt  }
0x7b: {  	_ =	shalt  }
0x7c: {  	_ =	shalt  }
0x7d: {  	_ =	shalt  }
0x7e: {  	_ =	shalt  }
0x7f: {  	_ =	shalt  }
0x80: {  	_ =	shalt  }
0x81: {  	_ =	shalt  }
0x82: {  	_ =	shalt  }
0x83: {  	_ =	shalt  }
0x84: {  	_ =	shalt  }
0x85: {  	_ =	shalt  }
0x86: {  	_ =	shalt  }
0x87: {  	_ =	shalt  }
.Lfunc_end0:
.L_simem_size_0:
called_computation_lowered:
.L_overlay_start_0:
0x88: {  	s2 =	sld [smem:$0x3FD9]  }
0x89: {  	s3 =	sld [smem:$0x3FFE];
	_ =	sdelay $0x1  }
0x8a: {  	s1 =	srdreg.scid  }
0x8b: {  	s0 =	sand.u32 $0x1, s1  }
0x8c: {  	s17 =	sshll.u32 s0, $0xA;
	s2 =	sadd.s32 s3, s2  }
0x8d: {  	s2 =	sadd.s32 s2, s17  }
0x8e: {  	[smem:$0x3FC5] =	sst s2  }
0x8f: {  	_ = 	snop  }
0x90: {  	s2 =	sld [smem:$0x3FC9]  }
0x91: {  	s18 =	sld [smem:$0x3FD0];
	(tm) =	ssettm $0x1  }
0x92: {  	s4 =	sld [smem:$0x3FFB];
	_ =	sdelay $0x3  }
0x93: {  	_ =	strace s4  }
0x94: {  	s4 =	sld [smem:$0x3FFC];
	_ =	sdelay $0x3  }
0x95: {  	_ =	strace s4  }
0x96: {  	s4 =	sld [smem:$0x3FFD];
	_ =	sdelay $0x3  }
0x97: {  	_ =	strace s4  }
0x98: {  	_ =	strace $0x8FFFFFFF  }
0x99: {  	s19 =	sld [smem:$0x3FDB];
	_ =	sdelay $0x1  }
0x9a: {  	s5 =	simm.s32 $_scs_section_size  }
0x9b: {  	s6 =	simm.s32 $_size__tile_overlayer_lowered;
	s7 =	simm.s32 $_tile_overlayer_lowered  }
0x9c: {  	s22 =	simm.s32 $0x1BFF;
	s21 =	sshll.u32 s7, $0x1;
	s4 =	sadd.s32 s5, s19  }
0x9d: {  	s8 =	simm.s32 $0x0;
	s20 =	sshll.u32 s6, $0x1;
	s6 =	sadd.s32 s21, s4  }
0x9e: {  	[timem:s8], [sflag:s22] =	dma.local [hbm:s6], s20  }
0x9f: {  	_ =	swait.ge [sflag:s22], s20  }
0xa0: {  	s5 =	ssub.s32 $0x0, s20;
	[sflag:s22] =	ssyncset.done $0x0  }
0xa1: {  	[sflag:s22] =	ssyncadd.s32 s5;
	_ =	sdelay $0x1  }
0xa2: {  	s23 =	simm.s32 $0x1B8B  }
0xa3: {  	_ =	swait.ge [sflag:s23], $0x1  }
0xa4: {  	[sflag:s23] =	ssyncset.done $0x0  }
0xa5: {  	s25 =	simm.s32 $0x1B8E;
	s24 =	sld [smem:$0x3FFE];
	[sflag:s23] =	ssyncadd.s32 $0xFFFFFFFF  }
0xa6: {  	s26 =	simm.s32 $execute0_lowered;
	[smem:$0x3FD2] =	sst s25  }
0xa7: {  	s6 =	sshll.u32 s26, $0x1;
	_ =	strace $0x80000046;
	[dreg:$0x1] =	wrdreg $0xFFFFFFFF  }
0xa8: {  	s28 =	simm.s32 $_size_execute0_lowered;
	s4 =	sadd.s32 s4, s6;
	[dreg:$0x0] =	wrdreg $0x0  }
0xa9: {  	s6 =	sshll.u32 s28, $0x1;
	[dreg:$0x2] =	wrdreg s4  }
0xaa: {  	[dreg:$0x3] =	wrdreg s6  }
0xab: {  	[dreg:$0x4] =	wrdreg $0xC0  }
0xac: {  	_ =	task [dreg:s8], $0x5FFFF  }
0xad: {  	[dreg:$0x1] =	wrdreg $0xFFFFFFFF  }
0xae: {  	[dreg:$0x0] =	wrdreg $0x60  }
0xaf: {  	[dreg:$0x2] =	wrdreg s2  }
0xb0: {  	[dreg:$0x3] =	wrdreg s24  }
0xb1: {  	[dreg:$0x4] =	wrdreg s18  }
0xb2: {  	[dreg:$0x5] =	wrdreg $0x9  }
0xb3: {  	_ =	task.clear_ibuf [dreg:s8], $0x6FFFF;
	_ =	strace $0x90000046  }
0xb4: {  	s29 =	simm.s32 $0x9;
	_ =	strace $0x80000048  }
0xb5: {  	_ =	swait.ge [sflag:s29], $0x1  }
0xb6: {  	[sflag:s29] =	ssyncadd.s32 $0xFFFFFFFF  }
0xb7: {  	_ =	strace $0x90000048  }
0xb8: {  	_ =	sfence  }
0xb9: {  	s30 =	sld [smem:$0x0];
	_ =	sdelay $0x2  }
0xba: {  	s31 =	sshll.u32 s1, $0xD;
	s1 =	sshrl.u32 s1, $0x2  }
0xbb: {  	s3 =	sand.u32 $0x4000, s31;
	s1 =	sadd.s32 s1, s30  }
0xbc: {  	s0 =	sor.u32 s3, s0;
	s1 =	sshll.u32 s1, $0x11  }
0xbd: {  	s0 =	sor.u32 s1, s0  }
0xbe: {  	s0 =	sadd.s32 $0x8F2B, s0  }
0xbf: {  	[sflag:s0] =	ssyncadd.remote.s32 $0x1  }
0xc0: {  	_ =	sfence.sel $0xFFFF  }
0xc1: {  	[dreg:$0x0] =	wrdreg $0xFFFFFFFF;
	(pc) =	sbr.abs _section_cstart, $3  }
0xc2: {  	[dreg:$0x1] =	wrdreg $0xFFFFFFFF  }
0xc3: {  	_ =	task.clear_ibuf [dreg:s8], $0x2FFFF;
	_ =	strace $0x9FFFFFFF  }
0xc4: {  	(tm) =	ssettm $0x7FFFFFFF  }
0xc5: {  	_ =	shalt  }
tec
execute0_lowered:
.L_overlay_start_1:
0x0: {  	(tag) =	ssettag $0x1  }
0x1: {  	s7 =	rddreg [dreg:$0x0]  }
0x2: {  	s6 =	rddreg [dreg:$0x1]  }
0x3: {  	s2 =	rddreg [dreg:$0x2];
	s4 =	srdreg.scid  }
0x4: {  	s3 =	simm.s32 $0x0;
	s1 =	stileid.u32;
	s11 =	simm.s32 $0x400  }
0x5: {  	s12 =	simm.s32 $0x8000;
	s13 =	simm.s32 $0x80;
	s14 =	simm.s32 $0x6400  }
0x6: {  	s15 =	simm.s32 $0x8400;
	s16 =	simm.s32 $0x1;
	s17 =	simm.s32 $0xA400  }
0x7: {  	v57 =	vlaneseq.u32;
	s18 =	simm.s32 $0x2;
	s19 =	simm.s32 $0xC400;
	s20 =	simm.s32 $0x3  }
0x8: {  	s4 =	sand.u32 $0x1, s4;
	[smem:$0x7FF] =	sst s3;
	s5 =	sshll.u32 s1, $0xB;
	v5 =	vor.u32 $0x20, v57  }
0x9: {  	s21 =	simm.s32 $0x4;
	v1 =	vmul.u32 $0x40, v57;
	v2 =	vor.u32 $0x10, v57;
	s8 =	sshll.u32 s4, $0xA;
	_ =	strace $0x80000047;
	[tilespmem:$0x1FFC0] =	vst v5  }
0xa: {  	s22 =	simm.s32 $0x0;
	v7 =	vor.u32 $0x30, v57;
	v9 =	vor.u32 $0x40, v57;
	v11 =	vor.u32 $0x50, v57;
	s9 =	ssub.s32 $0x2, s4;
	[tilespmem:$0x1FFE0] =	vst v2;
	s4 =	sor.u32 s8, s5  }
0xb: {  	v13 =	vor.u32 $0x60, v57;
	v15 =	vor.u32 $0x70, v57;
	s5 =	sadd.s32 $0xC00, s6;
	s31 =	sshrl.u32 s9, $0x1;
	s6 =	sadd.s32 $0x400, s6;
	v3 =	vor.u32 $0x400, v1;
	[tilespmem:$0x1FFF0] =	vst v1  }
0xc: {  	v4 =	vor.u32 $0x800, v1;
	v6 =	vor.u32 $0xC00, v1;
	v8 =	vor.u32 $0x1000, v1;
	s10 =	sshrl.u32 s4, $0x3;
	s8 =	ssub.s32 s9, s31;
	s9 =	simm.s32 $0xE400;
	[tilespmem:$0x1FFB0] =	vst v3  }
0xd: {  	v10 =	vor.u32 $0x1400, v1;
	v12 =	vor.u32 $0x1800, v1;
	v14 =	vor.u32 $0x1C00, v1;
	[tilespmem:$0x1FFD0] =	vst v4;
	s7 =	sadd.s32 s7, s10;
	s8 =	smax.u32 s8, $0x1;
	s10 =	simm.s32 $0x5  }
.LBB2_1:
0xe: {  	[tilespmem:s9], [sflag:$0x5] =	stream.linear.gather [hbm4b:s6+s3], $0x3200, $0x38;
	[tilespmem:$0x11600] =	vst v63  }
0xf: {  	_ =	swait.ge [sflag:s10], $0x3200  }
0x10: {  	[sflag:s10] =	ssyncset.done $0x0  }
0x11: {  	[sflag:s10] =	ssyncadd.s32 $0xFFFFCE00  }
0x12: {  	[tilespmem:s3], [sflag:$0x5] =	stream.strided.gather [hbm4b:s7+s11], $0x6400, s12, s11, $0x38;
	[tilespmem:$0x11600] =	vst v63  }
0x13: {  	_ =	swait.ge [sflag:s10], $0x6400  }
0x14: {  	[sflag:s10] =	ssyncset.done $0x0  }
0x15: {  	s23 =	simm.s32 $0x0;
	[sflag:s10] =	ssyncadd.s32 $0xFFFF9C00  }
0x16: {  	[tilespmem:s14], [sflag:$0x1] =	stream.indirect.gather [hbm4b:s5+s13], $0x40, s3, s13, $0xb8;
	[tilespmem:$0x11600] =	vst v63  }
.LBB2_2:
0x17: {  	s26 =	simm.s32 $0x0  }
0x18: {  	p0 =	seq.s32 s23, $0x0;
	s24 =	sshllo.u32 s23, $0x1;
	s29 =	sand.u32 $0xE, s26  }
0x19: {  	s25 =	sshll.u32 s23, $0x8;
	s31 =	sshll.u32 s23, $0x7;
	s30 =	sor.u32 $0x1, s29  }
0x1a: {  	s28 =	simm.s32 @!p0 $0x4;
	s31 =	sand.u32 $0x3FFFFF80, s31;
	s26 =	sand.u32 $0x30, s26;
	v16 =	vadd.s32 s30, v57  }
0x1b: {  	s0 =	sand.u32 $0x7C00, s25;
	_ =	swait.ge @!p0 [sflag:s28], $0x2000;
	s30 =	sshll.u32 s24, $0x7;
	v17 =	vand.u32 $0xF, v16  }
0x1c: {  	s31 =	sadd.s32 $0xE400, s31;
	[sflag:s28] =	ssyncset.done @!p0 $0x0;
	s30 =	sand.u32 $0x380, s30;
	v18 =	vor.u32 s26, v17  }
0x1d: {  	v0 =	vmov s31;
	[sflag:s28] =	ssyncadd.s32 @!p0 $0xFFFFE000;
	v20 =	vand.u32 $0x7, v16;
	s0 =	sor.u32 s30, s0;
	v19 =	vand.u32 $0x38, v18  }
0x1e: {  	[tilespmem:s15], [sflag:$0x2] =	stream.indirect.gather [hbm4b:s5+s13], $0x40, s0, s13, $0xb8;
	v32 =	vor.u32 v20, v19;
	[tilespmem:$0x11600] =	vst v63  }
0x1f: {  	_ =	swait.ge [sflag:s16], $0x2000;
	v19 =	vor.u32 v1, v32  }
0x20: {  	[sflag:s16] =	ssyncset.done $0x0  }
0x21: {  	[sflag:s16] =	ssyncadd.s32 $0xFFFFE000  }
0x22: {  	v20 =	vld.idx.msk [tilespmem:v0+s26+$0x0 ss:$0x1], $0xffff  }
0x23: {  	v21 =	vadd.s32 s29, v57;
	v16 =	vshll.u32 v16, $0x7;
	v18 =	vshll.u32 v18, $0x7  }
0x24: {  	v22 =	vand.u32 $0xF, v21;
	v16 =	vand.u32 $0x380, v16;
	v18 =	vand.u32 $0x1C00, v18;
	v19 =	vld.idx.msk [tilespmem:v19+s14+$0x0], $0xffff  }
0x25: {  	v24 =	vor.u32 s26, v22;
	v33 =	vor.u32 v16, v18  }
0x26: {  	v16 =	vand.u32 $0x38, v24;
	v18 =	vand.u32 $0x7, v21;
	v25 =	vor.u32 v57, v33  }
0x27: {  	v39 =	vor.u32 v18, v16;
	v16 =	vperm.xlane v20, v17;
	v17 =	vor.u32 v3, v32  }
0x28: {  	v18 =	vor.u32 v1, v39  }
0x29: {  	v19 =	vadd.f32 v19, v16;
	_ =	sdelay $0x1  }
0x2a: {  	[tilespmem:v25+s17+$0x0] =	vst.idx.msk $0xffff, v19  }
0x2b: {  	v19 =	vshll.u32 v21, $0x7;
	v21 =	vshll.u32 v24, $0x7;
	v24 =	vld.idx.msk [tilespmem:v17+s14+$0x0], $0xffff  }
0x2c: {  	s29 =	simm.s32 $0x2;
	v17 =	vand.u32 $0x380, v19;
	v19 =	vand.u32 $0x1C00, v21;
	v21 =	vld.idx.msk [tilespmem:v18+s14+$0x0], $0xffff  }
0x2d: {  	s30 =	sand.u32 $0xE, s29;
	v18 =	vor.u32 v17, v19;
	v19 =	vor.u32 v2, v33  }
0x2e: {  	s31 =	sor.u32 $0x1, s30;
	v25 =	vor.u32 v4, v32;
	v26 =	vor.u32 v57, v18  }
0x2f: {  	v27 =	vadd.s32 s31, v57;
	v17 =	vperm.xlane v20, v22;
	v20 =	vor.u32 v3, v39  }
0x30: {  	s0 =	sand.u32 $0x30, s29;
	v22 =	vand.u32 $0xF, v27;
	v24 =	vadd.f32 v24, v16  }
0x31: {  	v28 =	vor.u32 s0, v22;
	v21 =	vadd.f32 v21, v17  }
0x32: {  	v30 =	vand.u32 $0x7, v27;
	v35 =	vor.u32 v6, v32;
	v29 =	vand.u32 $0x38, v28;
	[tilespmem:v19+s17+$0x0] =	vst.idx.msk $0xffff, v24  }
0x33: {  	v55 =	vor.u32 v8, v32;
	v19 =	vor.u32 v30, v29;
	[tilespmem:v26+s17+$0x0] =	vst.idx.msk $0xffff, v21;
	v21 =	vld.idx.msk [tilespmem:v25+s14+$0x0], $0xffff  }
0x34: {  	v45 =	vor.u32 v10, v32;
	v43 =	vor.u32 v11, v33;
	v25 =	vor.u32 v1, v19;
	v20 =	vld.idx.msk [tilespmem:v20+s14+$0x0], $0xffff  }
0x35: {  	v27 =	vshll.u32 v27, $0x7;
	v24 =	vadd.s32 s30, v57;
	v30 =	vor.u32 v5, v33  }
0x36: {  	v34 =	vor.u32 v2, v18;
	v27 =	vand.u32 $0x380, v27;
	v29 =	vand.u32 $0xF, v24  }
0x37: {  	v36 =	vld.idx.msk [tilespmem:v0+s0+$0x0 ss:$0x1], $0xffff;
	v28 =	vshll.u32 v28, $0x7;
	v26 =	vor.u32 v4, v39;
	v31 =	vor.u32 s0, v29  }
0x38: {  	v38 =	vand.u32 $0x7, v24;
	v37 =	vand.u32 $0x38, v31;
	v40 =	vadd.f32 v21, v16  }
0x39: {  	v28 =	vand.u32 $0x1C00, v28;
	v41 =	vld.idx.msk [tilespmem:v25+s14+$0x0], $0xffff;
	v25 =	vor.u32 v38, v37;
	v20 =	vadd.f32 v20, v17  }
0x3a: {  	v21 =	vor.u32 v27, v28;
	v27 =	vor.u32 v1, v25;
	[tilespmem:v30+s17+$0x0] =	vst.idx.msk $0xffff, v40  }
0x3b: {  	v60 =	vor.u32 v6, v39;
	v42 =	vor.u32 v8, v39;
	s26 =	simm.s32 $0x4;
	v28 =	vor.u32 v57, v21;
	v30 =	vld.idx.msk [tilespmem:v35+s14+$0x0], $0xffff  }
0x3c: {  	s29 =	sand.u32 $0xE, s26;
	v31 =	vshll.u32 v31, $0x7;
	[tilespmem:v34+s17+$0x0] =	vst.idx.msk $0xffff, v20;
	v20 =	vperm.xlane v36, v22;
	v22 =	vor.u32 v3, v19  }
0x3d: {  	v48 =	vadd.s32 s29, v57;
	v34 =	vld.idx.msk [tilespmem:v26+s14+$0x0], $0xffff;
	v26 =	vand.u32 $0x1C00, v31;
	v31 =	vor.u32 v7, v33  }
0x3e: {  	v51 =	vand.u32 $0xF, v48;
	v24 =	vshll.u32 v24, $0x7;
	v54 =	vadd.f32 v41, v20  }
0x3f: {  	v44 =	vor.u32 v7, v18;
	s30 =	sor.u32 $0x1, s29;
	v58 =	vor.u32 v4, v19;
	v24 =	vand.u32 $0x380, v24;
	v27 =	vld.idx.msk [tilespmem:v27+s14+$0x0], $0xffff  }
0x40: {  	v49 =	vadd.s32 s30, v57;
	v24 =	vor.u32 v24, v26;
	[tilespmem:v28+s17+$0x0] =	vst.idx.msk $0xffff, v54;
	v30 =	vadd.f32 v30, v16  }
0x41: {  	v50 =	vor.u32 v6, v19;
	v59 =	vor.u32 v57, v24;
	v28 =	vor.u32 v5, v18;
	v35 =	vld.idx.msk [tilespmem:v22+s14+$0x0], $0xffff  }
0x42: {  	v52 =	vand.u32 $0xF, v49;
	v22 =	vperm.xlane v36, v29;
	[tilespmem:v31+s17+$0x0] =	vst.idx.msk $0xffff, v30;
	v30 =	vor.u32 v3, v25  }
0x43: {  	v63 =	vand.u32 $0x7, v49;
	v37 =	vor.u32 v9, v33;
	v56 =	vor.u32 v2, v21;
	v31 =	vld.idx.msk [tilespmem:v55+s14+$0x0], $0xffff  }
0x44: {  	v38 =	vor.u32 v12, v32;
	v46 =	vor.u32 v4, v25;
	v27 =	vadd.f32 v27, v22  }
0x45: {  	s31 =	sand.u32 $0x30, s26;
	v47 =	vor.u32 v5, v21;
	v26 =	vor.u32 v9, v21;
	v29 =	vadd.f32 v34, v17  }
0x46: {  	v62 =	vor.u32 s31, v52;
	v61 =	vor.u32 v2, v24;
	v35 =	vadd.f32 v35, v20;
	[tilespmem:v59+s17+$0x0] =	vst.idx.msk $0xffff, v27  }
0x47: {  	v54 =	vor.u32 v9, v18;
	v55 =	vor.u32 v10, v39;
	[tilespmem:v28+s17+$0x0] =	vst.idx.msk $0xffff, v29;
	v30 =	vld.idx.msk [tilespmem:v30+s14+$0x0], $0xffff  }
0x48: {  	v28 =	vshll.u32 v48, $0x7;
	v29 =	vand.u32 $0x38, v62;
	[tilespmem:v56+s17+$0x0] =	vst.idx.msk $0xffff, v35;
	v27 =	vadd.f32 v31, v16  }
0x49: {  	v28 =	vand.u32 $0x380, v28;
	v56 =	vand.u32 $0x7, v48;
	v35 =	vshll.u32 v62, $0x7;
	v41 =	vld.idx.msk [tilespmem:v58+s14+$0x0], $0xffff  }
0x4a: {  	v36 =	vld.idx.msk [tilespmem:v60+s14+$0x0], $0xffff;
	v31 =	vor.u32 s31, v51;
	v58 =	vshll.u32 v49, $0x7;
	[tilespmem:v37+s17+$0x0] =	vst.idx.msk $0xffff, v27;
	v27 =	vor.u32 v63, v29  }
0x4b: {  	v35 =	vand.u32 $0x1C00, v35;
	v53 =	vand.u32 $0x38, v31;
	v59 =	vld.idx.msk [tilespmem:v45+s14+$0x0], $0xffff;
	v60 =	vor.u32 v1, v27  }
0x4c: {  	v31 =	vshll.u32 v31, $0x7;
	v29 =	vor.u32 v56, v53;
	v30 =	vadd.f32 v30, v22  }
0x4d: {  	v37 =	vand.u32 $0x380, v58;
	v31 =	vand.u32 $0x1C00, v31;
	v58 =	vor.u32 v7, v21;
	[tilespmem:$0x1FFA0] =	vst v0  }
0x4e: {  	v49 =	vor.u32 v1, v29;
	v48 =	vld.idx.msk [tilespmem:v0+s31+$0x0 ss:$0x1], $0xffff;
	[tilespmem:v61+s17+$0x0] =	vst.idx.msk $0xffff, v30;
	v61 =	vadd.f32 v41, v20  }
0x4f: {  	v40 =	vor.u32 v4, v27;
	v30 =	vor.u32 v28, v31;
	v31 =	vadd.f32 v36, v17;
	v62 =	vld.idx.msk [tilespmem:v46+s14+$0x0], $0xffff  }
0x50: {  	v28 =	vor.u32 v37, v35;
	v63 =	vadd.f32 v59, v16;
	v45 =	vld.idx.msk [tilespmem:v60+s14+$0x0], $0xffff;
	[tilespmem:v47+s17+$0x0] =	vst.idx.msk $0xffff, v61  }
0x51: {  	v0 =	vor.u32 v5, v24;
	v41 =	vor.u32 v2, v28;
	[tilespmem:v44+s17+$0x0] =	vst.idx.msk $0xffff, v31;
	v34 =	vld.idx.msk [tilespmem:v50+s14+$0x0], $0xffff  }
0x52: {  	v1 =	vor.u32 v57, v28;
	v61 =	vor.u32 v6, v25;
	v42 =	vld.idx.msk [tilespmem:v42+s14+$0x0], $0xffff;
	[tilespmem:v43+s17+$0x0] =	vst.idx.msk $0xffff, v63  }
0x53: {  	v36 =	vor.u32 v9, v28;
	v2 =	vor.u32 v3, v27;
	v31 =	vperm.xlane v48, v52;
	v38 =	vld.idx.msk [tilespmem:v38+s14+$0x0], $0xffff  }
0x54: {  	v59 =	vor.u32 v8, v19;
	v60 =	vor.u32 v13, v33;
	v35 =	vadd.f32 v62, v22  }
0x55: {  	v33 =	vor.u32 v15, v33;
	v44 =	vor.u32 v12, v39;
	v45 =	vadd.f32 v45, v31  }
0x56: {  	v50 =	vld.idx.msk [tilespmem:v49+s14+$0x0], $0xffff;
	v62 =	vor.u32 v14, v32;
	[tilespmem:v0+s17+$0x0] =	vst.idx.msk $0xffff, v35;
	v34 =	vadd.f32 v34, v20  }
0x57: {  	v52 =	vor.u32 v3, v29;
	v42 =	vadd.f32 v42, v17;
	[tilespmem:v1+s17+$0x0] =	vst.idx.msk $0xffff, v45;
	v46 =	vld.idx.msk [tilespmem:v61+s14+$0x0], $0xffff  }
0x58: {  	v32 =	vperm.xlane v48, v51;
	v63 =	vadd.f32 v38, v16;
	v49 =	vld.idx.msk [tilespmem:v2+s14+$0x0], $0xffff;
	[tilespmem:v58+s17+$0x0] =	vst.idx.msk $0xffff, v34  }
0x59: {  	v51 =	vor.u32 v57, v30;
	v35 =	vor.u32 v14, v39;
	[tilespmem:v54+s17+$0x0] =	vst.idx.msk $0xffff, v42;
	v47 =	vld.idx.msk [tilespmem:v59+s14+$0x0], $0xffff  }
0x5a: {  	v39 =	vor.u32 v11, v21;
	v45 =	vor.u32 v11, v18;
	v48 =	vld.idx.msk [tilespmem:v55+s14+$0x0], $0xffff;
	[tilespmem:v60+s17+$0x0] =	vst.idx.msk $0xffff, v63  }
0x5b: {  	v34 =	vor.u32 v13, v18;
	v38 =	vor.u32 v12, v19;
	v42 =	vor.u32 v8, v25;
	v37 =	vld.idx.msk [tilespmem:v62+s14+$0x0], $0xffff  }
.LBB2_3:
0x5c: {  	v4 =	vld [tilespmem:$0x1FFD0]  }
0x5d: {  	v5 =	vld [tilespmem:$0x1FFC0]  }
0x5e: {  	v2 =	vld [tilespmem:$0x1FFE0];
	_ =	sdelay $0x1  }
0x5f: {  	v49 =	vadd.f32 v49, v31  }
0x60: {  	s26 =	sadd.s32 $0x2, s26;
	v54 =	vor.u32 v10, v19;
	v43 =	vmovc v25;
	v0 =	vld [tilespmem:$0x1FFA0];
	v50 =	vadd.f32 v50, v32;
	v47 =	vadd.f32 v47, v20  }
0x61: {  	v25 =	vmovc v29;
	v1 =	vlaneseq.u32;
	s0 =	sand.u32 $0xE, s26;
	[tilespmem:v41+s17+$0x0] =	vst.idx.msk $0xffff, v49;
	v55 =	vor.u32 v4, v29;
	v56 =	vor.u32 v5, v28  }
0x62: {  	v29 =	vadd.s32 s0, v57;
	s0 =	sor.u32 $0x1, s0;
	[tilespmem:v51+s17+$0x0] =	vst.idx.msk $0xffff, v50;
	v50 =	vor.u32 v2, v30;
	v51 =	vor.u32 v6, v27  }
0x63: {  	v60 =	vmovc v30;
	s28 =	sand.u32 $0x30, s26;
	[tilespmem:v26+s17+$0x0] =	vst.idx.msk $0xffff, v47;
	v47 =	vadd.f32 v48, v17;
	v57 =	vand.u32 $0xF, v29;
	v58 =	vadd.s32 s0, v1  }
0x64: {  	v23 =	vmovc v21;
	v21 =	vmovc v28;
	v62 =	vshll.u32 v29, $0x7;
	v28 =	vand.u32 $0x7, v29;
	v30 =	vor.u32 s28, v57  }
0x65: {  	v59 =	vmovc v27;
	v52 =	vld.idx.msk [tilespmem:v52+s14+$0x0], $0xffff;
	v63 =	vand.u32 $0xF, v58;
	v49 =	vand.u32 $0x7, v58;
	v27 =	vand.u32 $0x38, v30  }
0x66: {  	v29 =	vor.u32 v28, v27;
	v28 =	vshll.u32 v58, $0x7;
	v58 =	vand.u32 $0x380, v62;
	v62 =	vld [tilespmem:$0x1FFF0]  }
0x67: {  	v53 =	vor.u32 v7, v24;
	v40 =	vld.idx.msk [tilespmem:v40+s14+$0x0], $0xffff;
	v41 =	vor.u32 s28, v63  }
0x68: {  	v61 =	vld.idx.msk [tilespmem:v0+s28+$0x0 ss:$0x1], $0xffff;
	[tilespmem:v45+s17+$0x0] =	vst.idx.msk $0xffff, v47;
	v30 =	vshll.u32 v30, $0x7;
	v45 =	vmovc v17;
	v17 =	vmov v22;
	v3 =	vand.u32 $0x38, v41  }
0x69: {  	v26 =	vmovc v36;
	v0 =	vmovc v35;
	v35 =	vld.idx.msk [tilespmem:v54+s14+$0x0], $0xffff;
	v41 =	vshll.u32 v41, $0x7;
	v30 =	vand.u32 $0x1C00, v30;
	v54 =	vadd.f32 v46, v17  }
0x6a: {  	v48 =	vmovc v16;
	v16 =	vmovc v20;
	v27 =	vor.u32 v49, v3;
	v41 =	vand.u32 $0x1C00, v41;
	v28 =	vand.u32 $0x380, v28  }
0x6b: {  	v20 =	vmovc v31;
	v31 =	vadd.f32 v52, v32;
	v28 =	vor.u32 v28, v41;
	v49 =	vor.u32 v62, v27  }
0x6c: {  	v44 =	vld.idx.msk [tilespmem:v44+s14+$0x0], $0xffff;
	v30 =	vor.u32 v58, v30;
	v52 =	vor.u32 v6, v25;
	v41 =	vor.u32 v2, v28  }
0x6d: {  	v22 =	vmov v32;
	v3 =	vld [tilespmem:$0x1FFB0];
	v36 =	vor.u32 v9, v28;
	[tilespmem:v50+s17+$0x0] =	vst.idx.msk $0xffff, v31;
	v31 =	vadd.f32 v40, v20  }
0x6e: {  	v40 =	vor.u32 v4, v27;
	v58 =	vadd.f32 v35, v16;
	v46 =	vld.idx.msk [tilespmem:v55+s14+$0x0], $0xffff;
	[tilespmem:v53+s17+$0x0] =	vst.idx.msk $0xffff, v54  }
0x6f: {  	v35 =	vor.u32 v14, v43;
	v32 =	vperm.xlane v61, v57;
	v47 =	vor.u32 v62, v29;
	v42 =	vld.idx.msk [tilespmem:v42+s14+$0x0], $0xffff  }
0x70: {  	v53 =	vor.u32 v15, v18;
	v49 =	vld.idx.msk [tilespmem:v49+s14+$0x0], $0xffff;
	[tilespmem:v56+s17+$0x0] =	vst.idx.msk $0xffff, v31;
	v31 =	vadd.f32 v37, v48  }
0x71: {  	v37 =	vld.idx.msk [tilespmem:v51+s14+$0x0], $0xffff;
	[tilespmem:v39+s17+$0x0] =	vst.idx.msk $0xffff, v58;
	v39 =	vadd.f32 v44, v45;
	v44 =	vor.u32 v5, v60  }
0x72: {  	v62 =	vor.u32 v1, v28;
	v18 =	vmovc v24;
	v48 =	vor.u32 v3, v27;
	v51 =	vor.u32 v7, v21  }
0x73: {  	v58 =	vor.u32 v9, v18;
	v38 =	vld.idx.msk [tilespmem:v38+s14+$0x0], $0xffff;
	[tilespmem:v33+s17+$0x0] =	vst.idx.msk $0xffff, v31;
	v31 =	vperm.xlane v61, v63  }
0x74: {  	v63 =	vadd.f32 v46, v22;
	[tilespmem:v34+s17+$0x0] =	vst.idx.msk $0xffff, v39;
	v39 =	vor.u32 v8, v59  }
0x75: {  	v42 =	vadd.f32 v42, v17;
	v46 =	vor.u32 v13, v23;
	v0 =	vld.idx.msk [tilespmem:v0+s14+$0x0], $0xffff;
	v49 =	vadd.f32 v49, v31  }
0x76: {  	v24 =	vmov v60;
	v61 =	vor.u32 v14, v19;
	[tilespmem:v44+s17+$0x0] =	vst.idx.msk $0xffff, v63;
	v60 =	vadd.f32 v37, v20  }
0x77: {  	p0 =	slt.u32 s26, $0x3E;
	v19 =	vmov v59;
	v50 =	vld.idx.msk [tilespmem:v47+s14+$0x0], $0xffff;
	[tilespmem:v62+s17+$0x0] =	vst.idx.msk $0xffff, v49;
	v62 =	vor.u32 v10, v43  }
.Ltmp0:
0x78: {  	v57 =	vlaneseq.u32;
	v33 =	vor.u32 v15, v23;
	v63 =	vadd.f32 v38, v16;
	v49 =	vld.idx.msk [tilespmem:v48+s14+$0x0], $0xffff;
	[tilespmem:v51+s17+$0x0] =	vst.idx.msk $0xffff, v60;
	(pc) =	sbr.rel @p0 .LBB2_3-.Ltmp0, $4  }
0x79: {  	v34 =	vor.u32 v13, v18;
	v44 =	vor.u32 v12, v43;
	v38 =	vor.u32 v12, v19;
	v47 =	vld.idx.msk [tilespmem:v39+s14+$0x0], $0xffff  }
0x7a: {  	v51 =	vor.u32 v57, v30;
	[tilespmem:v46+s17+$0x0] =	vst.idx.msk $0xffff, v63;
	v46 =	vld.idx.msk [tilespmem:v52+s14+$0x0], $0xffff;
	v0 =	vadd.f32 v0, v45  }
0x7b: {  	[tilespmem:v58+s17+$0x0] =	vst.idx.msk $0xffff, v42;
	v52 =	vor.u32 v3, v29;
	v45 =	vor.u32 v11, v18;
	v37 =	vld.idx.msk [tilespmem:v61+s14+$0x0], $0xffff  }
0x7c: {  	v42 =	vor.u32 v8, v25;
	v39 =	vor.u32 v11, v21;
	v48 =	vld.idx.msk [tilespmem:v62+s14+$0x0], $0xffff;
	[tilespmem:v53+s17+$0x0] =	vst.idx.msk $0xffff, v0  }
0x7d: {  	_ =	sdelay $0x1  }
0x7e: {  	v0 =	vadd.f32 v50, v32;
	_ =	sdelay $0x1  }
0x7f: {  	[tilespmem:v51+s17+$0x0] =	vst.idx.msk $0xffff, v0  }
0x80: {  	v4 =	vld [tilespmem:$0x1FFE0];
	_ =	sdelay $0x2  }
0x81: {  	v0 =	vld.idx.msk [tilespmem:v52+s14+$0x0], $0xffff;
	_ =	sdelay $0x1  }
0x82: {  	v5 =	vld [tilespmem:$0x1FFD0];
	v23 =	vor.u32 v4, v30;
	_ =	sdelay $0x1  }
0x83: {  	v49 =	vadd.f32 v49, v31  }
0x84: {  	v0 =	vadd.f32 v0, v32  }
0x85: {  	[tilespmem:v41+s17+$0x0] =	vst.idx.msk $0xffff, v49  }
0x86: {  	v43 =	vor.u32 v5, v29;
	[tilespmem:v23+s17+$0x0] =	vst.idx.msk $0xffff, v0  }
0x87: {  	v55 =	vld [tilespmem:$0x1FFC0];
	_ =	sdelay $0x2  }
0x88: {  	v40 =	vld.idx.msk [tilespmem:v40+s14+$0x0], $0xffff  }
0x89: {  	v0 =	vld.idx.msk [tilespmem:v43+s14+$0x0], $0xffff  }
0x8a: {  	v23 =	vor.u32 v55, v28  }
0x8b: {  	v58 =	vor.u32 v6, v27;
	v59 =	vor.u32 v55, v30  }
0x8c: {  	v60 =	vor.u32 v6, v29  }
0x8d: {  	v40 =	vadd.f32 v40, v31  }
0x8e: {  	v0 =	vadd.f32 v0, v32  }
0x8f: {  	[tilespmem:v23+s17+$0x0] =	vst.idx.msk $0xffff, v40  }
0x90: {  	[tilespmem:v59+s17+$0x0] =	vst.idx.msk $0xffff, v0;
	v23 =	vld.idx.msk [tilespmem:v58+s14+$0x0], $0xffff  }
0x91: {  	v0 =	vor.u32 v7, v24;
	v61 =	vld.idx.msk [tilespmem:v60+s14+$0x0], $0xffff  }
0x92: {  	v62 =	vor.u32 v7, v28  }
0x93: {  	v63 =	vor.u32 v8, v27;
	v52 =	vor.u32 v7, v30  }
0x94: {  	v53 =	vor.u32 v8, v29;
	v46 =	vadd.f32 v46, v22  }
0x95: {  	v23 =	vadd.f32 v23, v31  }
0x96: {  	[tilespmem:v0+s17+$0x0] =	vst.idx.msk $0xffff, v46;
	v0 =	vadd.f32 v61, v32  }
0x97: {  	v54 =	vld.idx.msk [tilespmem:v42+s14+$0x0], $0xffff;
	[tilespmem:v62+s17+$0x0] =	vst.idx.msk $0xffff, v23  }
0x98: {  	[tilespmem:v52+s17+$0x0] =	vst.idx.msk $0xffff, v0;
	v23 =	vld.idx.msk [tilespmem:v63+s14+$0x0], $0xffff  }
0x99: {  	v56 =	vor.u32 v9, v24;
	v0 =	vor.u32 v10, v19;
	v58 =	vld.idx.msk [tilespmem:v53+s14+$0x0], $0xffff  }
0x9a: {  	v59 =	vor.u32 v10, v25  }
0x9b: {  	v60 =	vadd.f32 v47, v20;
	v61 =	vor.u32 v10, v27;
	v62 =	vor.u32 v9, v30  }
0x9c: {  	v63 =	vor.u32 v10, v29;
	v40 =	vadd.f32 v54, v22  }
0x9d: {  	[tilespmem:v26+s17+$0x0] =	vst.idx.msk $0xffff, v60;
	v23 =	vadd.f32 v23, v31  }
0x9e: {  	v0 =	vld.idx.msk [tilespmem:v0+s14+$0x0], $0xffff;
	[tilespmem:v56+s17+$0x0] =	vst.idx.msk $0xffff, v40;
	v26 =	vadd.f32 v58, v32  }
0x9f: {  	v40 =	vld.idx.msk [tilespmem:v59+s14+$0x0], $0xffff;
	[tilespmem:v36+s17+$0x0] =	vst.idx.msk $0xffff, v23  }
0xa0: {  	[tilespmem:v62+s17+$0x0] =	vst.idx.msk $0xffff, v26;
	v23 =	vld.idx.msk [tilespmem:v61+s14+$0x0], $0xffff  }
0xa1: {  	v26 =	vor.u32 v11, v24;
	v52 =	vld.idx.msk [tilespmem:v63+s14+$0x0], $0xffff  }
0xa2: {  	v53 =	vadd.f32 v48, v17;
	v54 =	vor.u32 v12, v25;
	v56 =	vor.u32 v11, v28  }
0xa3: {  	v58 =	vor.u32 v12, v27;
	v59 =	vor.u32 v11, v30;
	v0 =	vadd.f32 v0, v20  }
0xa4: {  	v60 =	vor.u32 v12, v29;
	[tilespmem:v45+s17+$0x0] =	vst.idx.msk $0xffff, v53;
	v40 =	vadd.f32 v40, v22  }
0xa5: {  	v44 =	vld.idx.msk [tilespmem:v44+s14+$0x0], $0xffff;
	[tilespmem:v39+s17+$0x0] =	vst.idx.msk $0xffff, v0;
	v0 =	vadd.f32 v23, v31  }
0xa6: {  	[tilespmem:v26+s17+$0x0] =	vst.idx.msk $0xffff, v40;
	v23 =	vld.idx.msk [tilespmem:v38+s14+$0x0], $0xffff;
	v26 =	vadd.f32 v52, v32  }
0xa7: {  	v61 =	vld.idx.msk [tilespmem:v54+s14+$0x0], $0xffff;
	[tilespmem:v56+s17+$0x0] =	vst.idx.msk $0xffff, v0  }
0xa8: {  	v0 =	vor.u32 v13, v21;
	[tilespmem:v59+s17+$0x0] =	vst.idx.msk $0xffff, v26;
	v62 =	vld.idx.msk [tilespmem:v58+s14+$0x0], $0xffff  }
0xa9: {  	v19 =	vor.u32 v14, v19;
	v26 =	vor.u32 v13, v24;
	v63 =	vld.idx.msk [tilespmem:v60+s14+$0x0], $0xffff  }
0xaa: {  	v46 =	vor.u32 v13, v28;
	v25 =	vor.u32 v14, v25;
	v45 =	vadd.f32 v44, v17  }
0xab: {  	v47 =	vor.u32 v13, v30;
	v27 =	vor.u32 v14, v27;
	v23 =	vadd.f32 v23, v20  }
0xac: {  	v29 =	vor.u32 v14, v29;
	[tilespmem:v34+s17+$0x0] =	vst.idx.msk $0xffff, v45;
	v48 =	vadd.f32 v61, v22  }
0xad: {  	v35 =	vld.idx.msk [tilespmem:v35+s14+$0x0], $0xffff;
	[tilespmem:v0+s17+$0x0] =	vst.idx.msk $0xffff, v23;
	v0 =	vadd.f32 v62, v31  }
0xae: {  	[tilespmem:v26+s17+$0x0] =	vst.idx.msk $0xffff, v48;
	v19 =	vld.idx.msk [tilespmem:v19+s14+$0x0], $0xffff;
	v23 =	vadd.f32 v63, v32  }
0xaf: {  	v18 =	vor.u32 v15, v18;
	v25 =	vld.idx.msk [tilespmem:v25+s14+$0x0], $0xffff;
	[tilespmem:v46+s17+$0x0] =	vst.idx.msk $0xffff, v0  }
0xb0: {  	v0 =	vor.u32 v15, v21;
	[tilespmem:v47+s17+$0x0] =	vst.idx.msk $0xffff, v23;
	v21 =	vld.idx.msk [tilespmem:v27+s14+$0x0], $0xffff  }
0xb1: {  	v16 =	vadd.f32 v37, v16;
	v23 =	vor.u32 v15, v24;
	v24 =	vld.idx.msk [tilespmem:v29+s14+$0x0], $0xffff  }
0xb2: {  	v17 =	vadd.f32 v35, v17;
	v26 =	vor.u32 v15, v28  }
0xb3: {  	[tilespmem:v33+s17+$0x0] =	vst.idx.msk $0xffff, v16;
	v16 =	vadd.f32 v19, v20;
	v19 =	vor.u32 v15, v30  }
0xb4: {  	[tilespmem:v18+s17+$0x0] =	vst.idx.msk $0xffff, v17;
	v17 =	vadd.f32 v25, v22  }
0xb5: {  	s0 =	sshll.u32 s23, $0x13;
	s31 =	simm.s32 $0x0;
	[tilespmem:v0+s17+$0x0] =	vst.idx.msk $0xffff, v16;
	v0 =	vadd.f32 v21, v31  }
0xb6: {  	p0 =	seq.s32 s23, $0x63;
	s30 =	sshll.u32 s24, $0x6;
	s0 =	sor.u32 s4, s0;
	[tilespmem:v23+s17+$0x0] =	vst.idx.msk $0xffff, v17;
	v16 =	vadd.f32 v24, v32  }
0xb7: {  	s26 =	sand.u32 $0xE, s31;
	s28 =	simm.s32 @!p0 $0x3;
	s0 =	sshrl.u32 s0, $0x3;
	[tilespmem:v26+s17+$0x0] =	vst.idx.msk $0xffff, v0  }
0xb8: {  	s25 =	sadd.s32 @!p0 $0x100, s25;
	s29 =	sor.u32 $0x1, s26;
	s0 =	sadd.s32 s2, s0;
	[tilespmem:v19+s17+$0x0] =	vst.idx.msk $0xffff, v16  }
0xb9: {  	[hbm4b:s0+s11] =	stream.strided.scatter [tilespmem:s17], [sflag:$0x3], $0x2000, s12, s11, $0x38;
	[tilespmem:$0x11600] =	vst v63  }
0xba: {  	s25 =	sand.u32 @!p0 $0xFF00, s25;
	v0 =	vadd.s32 s29, v57;
	s29 =	sand.u32 $0x3FFFFFC0, s30;
	_ =	swait.ge @!p0 [sflag:s28], $0x2000  }
0xbb: {  	s0 =	sand.u32 $0x30, s31;
	s31 =	sadd.s32 $0xE400, s29;
	[sflag:s28] =	ssyncset.done @!p0 $0x0  }
0xbc: {  	s29 =	simm.s32 @!p0 $0x80;
	[sflag:s28] =	ssyncadd.s32 @!p0 $0xFFFFE000;
	s28 =	simm.s32 @!p0 $0x6400  }
0xbd: {  	[tilespmem:s28], [sflag:$0x1] =	stream.indirect.gather @!p0 [hbm4b:s5+s29], $0x40, s25, s29, $0xb8;
	[tilespmem:$0x11600] =	vst v63  }
0xbe: {  	_ =	swait.ge [sflag:s18], $0x2000  }
0xbf: {  	v1 =	vld [tilespmem:$0x1FFF0]  }
0xc0: {  	v16 =	vand.u32 $0xF, v0  }
0xc1: {  	v17 =	vor.u32 s0, v16  }
0xc2: {  	v19 =	vand.u32 $0x7, v0;
	v2 =	vmov s31;
	v18 =	vand.u32 $0x38, v17  }
0xc3: {  	v32 =	vor.u32 v19, v18  }
0xc4: {  	v18 =	vor.u32 v1, v32  }
0xc5: {  	[sflag:s18] =	ssyncset.done $0x0  }
0xc6: {  	[sflag:s18] =	ssyncadd.s32 $0xFFFFE000  }
0xc7: {  	v19 =	vld.idx.msk [tilespmem:v2+s0+$0x0 ss:$0x1], $0xffff  }
0xc8: {  	v20 =	vadd.s32 s26, v57;
	v0 =	vshll.u32 v0, $0x7;
	v17 =	vshll.u32 v17, $0x7  }
0xc9: {  	v21 =	vand.u32 $0xF, v20;
	v0 =	vand.u32 $0x380, v0;
	v17 =	vand.u32 $0x1C00, v17;
	v18 =	vld.idx.msk [tilespmem:v18+s15+$0x0], $0xffff  }
0xca: {  	v22 =	vor.u32 s0, v21;
	v33 =	vor.u32 v0, v17  }
0xcb: {  	v0 =	vand.u32 $0x38, v22;
	v17 =	vand.u32 $0x7, v20;
	v24 =	vor.u32 v57, v33  }
0xcc: {  	v39 =	vor.u32 v17, v0;
	v0 =	vor.u32 v3, v32;
	v16 =	vperm.xlane v19, v16  }
0xcd: {  	v17 =	vor.u32 v1, v39  }
0xce: {  	v18 =	vadd.f32 v18, v16;
	_ =	sdelay $0x1  }
0xcf: {  	[tilespmem:v24+s19+$0x0] =	vst.idx.msk $0xffff, v18  }
0xd0: {  	v18 =	vshll.u32 v20, $0x7;
	v20 =	vshll.u32 v22, $0x7;
	v0 =	vld.idx.msk [tilespmem:v0+s15+$0x0], $0xffff  }
0xd1: {  	s30 =	simm.s32 $0x2;
	v22 =	vld.idx.msk [tilespmem:v17+s15+$0x0], $0xffff;
	v18 =	vand.u32 $0x380, v18;
	v20 =	vand.u32 $0x1C00, v20  }
0xd2: {  	s31 =	sand.u32 $0xE, s30;
	v18 =	vor.u32 v18, v20;
	v20 =	vor.u32 v4, v33  }
0xd3: {  	s28 =	sor.u32 $0x1, s31;
	v24 =	vor.u32 v5, v32;
	v25 =	vor.u32 v57, v18  }
0xd4: {  	v26 =	vadd.s32 s28, v57;
	v17 =	vperm.xlane v19, v21;
	v21 =	vor.u32 v3, v39  }
0xd5: {  	v27 =	vand.u32 $0xF, v26;
	s0 =	sand.u32 $0x30, s30;
	v0 =	vadd.f32 v0, v16  }
0xd6: {  	v28 =	vor.u32 s0, v27;
	v22 =	vadd.f32 v22, v17  }
0xd7: {  	v29 =	vand.u32 $0x7, v26;
	v19 =	vand.u32 $0x38, v28;
	[tilespmem:v20+s19+$0x0] =	vst.idx.msk $0xffff, v0  }
0xd8: {  	v19 =	vor.u32 v29, v19;
	[tilespmem:v25+s19+$0x0] =	vst.idx.msk $0xffff, v22;
	v20 =	vld.idx.msk [tilespmem:v24+s15+$0x0], $0xffff  }
0xd9: {  	v50 =	vor.u32 v6, v32;
	v22 =	vor.u32 v1, v19;
	v21 =	vld.idx.msk [tilespmem:v21+s15+$0x0], $0xffff  }
0xda: {  	v30 =	vor.u32 v55, v33;
	v26 =	vshll.u32 v26, $0x7;
	v0 =	vadd.s32 s31, v57  }
0xdb: {  	v26 =	vand.u32 $0x380, v26;
	v28 =	vshll.u32 v28, $0x7;
	v29 =	vand.u32 $0xF, v0  }
0xdc: {  	v51 =	vld.idx.msk [tilespmem:v2+s0+$0x0 ss:$0x1], $0xffff;
	v49 =	vor.u32 v4, v18;
	v24 =	vor.u32 v5, v39;
	v31 =	vor.u32 s0, v29  }
0xdd: {  	v52 =	vand.u32 $0x7, v0;
	v25 =	vand.u32 $0x38, v31;
	v20 =	vadd.f32 v20, v16  }
0xde: {  	v28 =	vand.u32 $0x1C00, v28;
	v25 =	vor.u32 v52, v25;
	v22 =	vld.idx.msk [tilespmem:v22+s15+$0x0], $0xffff;
	v53 =	vadd.f32 v21, v17  }
0xdf: {  	v21 =	vor.u32 v26, v28;
	v26 =	vor.u32 v1, v25;
	[tilespmem:v30+s19+$0x0] =	vst.idx.msk $0xffff, v20  }
0xe0: {  	v41 =	vor.u32 v10, v32;
	v0 =	vshll.u32 v0, $0x7;
	v28 =	vor.u32 v57, v21;
	v30 =	vld.idx.msk [tilespmem:v50+s15+$0x0], $0xffff  }
0xe1: {  	v31 =	vshll.u32 v31, $0x7;
	[tilespmem:v49+s19+$0x0] =	vst.idx.msk $0xffff, v53;
	v20 =	vperm.xlane v51, v27;
	v27 =	vor.u32 v3, v19  }
0xe2: {  	v0 =	vand.u32 $0x380, v0;
	v34 =	vld.idx.msk [tilespmem:v24+s15+$0x0], $0xffff;
	v24 =	vand.u32 $0x1C00, v31;
	v31 =	vor.u32 v7, v33  }
0xe3: {  	v22 =	vadd.f32 v22, v20;
	v24 =	vor.u32 v0, v24;
	v0 =	vor.u32 v8, v32  }
0xe4: {  	s25 =	simm.s32 $0x4;
	v35 =	vor.u32 v9, v33;
	v43 =	vor.u32 v11, v33;
	v61 =	vor.u32 v6, v39;
	v59 =	vld.idx.msk [tilespmem:v26+s15+$0x0], $0xffff  }
0xe5: {  	s29 =	sand.u32 $0xE, s25;
	v42 =	vor.u32 v8, v39;
	[tilespmem:v28+s19+$0x0] =	vst.idx.msk $0xffff, v22;
	v30 =	vadd.f32 v30, v16  }
0xe6: {  	v62 =	vadd.s32 s29, v57;
	s30 =	sor.u32 $0x1, s29;
	v60 =	vor.u32 v57, v24;
	v28 =	vor.u32 v55, v18;
	v27 =	vld.idx.msk [tilespmem:v27+s15+$0x0], $0xffff  }
0xe7: {  	v63 =	vadd.s32 s30, v57;
	v22 =	vperm.xlane v51, v29;
	[tilespmem:v31+s19+$0x0] =	vst.idx.msk $0xffff, v30;
	v30 =	vor.u32 v3, v25  }
0xe8: {  	v54 =	vor.u32 v5, v19;
	v56 =	vor.u32 v6, v19;
	v37 =	vor.u32 v4, v21;
	v0 =	vld.idx.msk [tilespmem:v0+s15+$0x0], $0xffff  }
0xe9: {  	v44 =	vor.u32 v7, v18;
	v45 =	vor.u32 v5, v25;
	v40 =	vadd.f32 v59, v22  }
0xea: {  	v46 =	vor.u32 v55, v21;
	v26 =	vor.u32 v9, v21;
	v29 =	vadd.f32 v34, v17  }
0xeb: {  	s31 =	sand.u32 $0x30, s25;
	v49 =	vand.u32 $0xF, v62;
	v34 =	vor.u32 v4, v24;
	v27 =	vadd.f32 v27, v20;
	[tilespmem:v60+s19+$0x0] =	vst.idx.msk $0xffff, v40  }
0xec: {  	v58 =	vand.u32 $0xF, v63;
	v31 =	vor.u32 v12, v32;
	v59 =	vor.u32 s31, v49;
	[tilespmem:v28+s19+$0x0] =	vst.idx.msk $0xffff, v29;
	v30 =	vld.idx.msk [tilespmem:v30+s15+$0x0], $0xffff  }
0xed: {  	v28 =	vshll.u32 v62, $0x7;
	v60 =	vor.u32 s31, v58;
	v36 =	vld.idx.msk [tilespmem:v61+s15+$0x0], $0xffff;
	[tilespmem:v37+s19+$0x0] =	vst.idx.msk $0xffff, v27;
	v0 =	vadd.f32 v0, v16  }
0xee: {  	v29 =	vand.u32 $0x7, v63;
	v61 =	vand.u32 $0x38, v59;
	v27 =	vand.u32 $0x38, v60;
	v38 =	vld.idx.msk [tilespmem:v54+s15+$0x0], $0xffff  }
0xef: {  	v28 =	vand.u32 $0x380, v28;
	v37 =	vshll.u32 v60, $0x7;
	v27 =	vor.u32 v29, v27;
	[tilespmem:v35+s19+$0x0] =	vst.idx.msk $0xffff, v0  }
0xf0: {  	v60 =	vor.u32 v8, v19;
	v0 =	vand.u32 $0x7, v62;
	v62 =	vor.u32 v1, v27;
	v35 =	vld.idx.msk [tilespmem:v41+s15+$0x0], $0xffff  }
0xf1: {  	v37 =	vand.u32 $0x1C00, v37;
	v40 =	vor.u32 v5, v27;
	v30 =	vadd.f32 v30, v22  }
0xf2: {  	v29 =	vor.u32 v0, v61;
	v0 =	vshll.u32 v63, $0x7;
	[tilespmem:$0x1FF90] =	vst v2;
	v63 =	vshll.u32 v59, $0x7  }
0xf3: {  	v47 =	vld.idx.msk [tilespmem:v2+s31+$0x0 ss:$0x1], $0xffff;
	v0 =	vand.u32 $0x380, v0;
	v41 =	vand.u32 $0x1C00, v63;
	v52 =	vadd.f32 v38, v20;
	[tilespmem:v34+s19+$0x0] =	vst.idx.msk $0xffff, v30  }
0xf4: {  	v30 =	vor.u32 v28, v41;
	v28 =	vor.u32 v0, v37;
	v0 =	vadd.f32 v36, v17;
	v53 =	vld.idx.msk [tilespmem:v45+s15+$0x0], $0xffff  }
0xf5: {  	v61 =	vor.u32 v13, v33;
	[tilespmem:v46+s19+$0x0] =	vst.idx.msk $0xffff, v52;
	v54 =	vld.idx.msk [tilespmem:v62+s15+$0x0], $0xffff;
	v35 =	vadd.f32 v35, v16  }
0xf6: {  	v33 =	vor.u32 v15, v33;
	[tilespmem:v44+s19+$0x0] =	vst.idx.msk $0xffff, v0;
	v0 =	vld.idx.msk [tilespmem:v56+s15+$0x0], $0xffff;
	v56 =	vor.u32 v55, v24  }
0xf7: {  	v51 =	vor.u32 v1, v29;
	v63 =	vor.u32 v57, v28;
	[tilespmem:v43+s19+$0x0] =	vst.idx.msk $0xffff, v35  }
0xf8: {  	v34 =	vor.u32 v13, v18;
	v62 =	vor.u32 v6, v25;
	v44 =	vld.idx.msk [tilespmem:v31+s15+$0x0], $0xffff;
	v31 =	vperm.xlane v47, v58  }
0xf9: {  	v45 =	vor.u32 v3, v27;
	v42 =	vld.idx.msk [tilespmem:v42+s15+$0x0], $0xffff;
	v58 =	vor.u32 v7, v21;
	v59 =	vadd.f32 v53, v22  }
0xfa: {  	v52 =	vor.u32 v3, v29;
	v41 =	vor.u32 v4, v28;
	v38 =	vadd.f32 v54, v31  }
0xfb: {  	v2 =	vmov v4;
	v53 =	vor.u32 v9, v18;
	v54 =	vor.u32 v14, v32;
	[tilespmem:v56+s19+$0x0] =	vst.idx.msk $0xffff, v59  }
0xfc: {  	v50 =	vld.idx.msk [tilespmem:v51+s15+$0x0], $0xffff;
	v0 =	vadd.f32 v0, v20;
	[tilespmem:v63+s19+$0x0] =	vst.idx.msk $0xffff, v38;
	v63 =	vor.u32 v10, v39  }
0xfd: {  	v36 =	vor.u32 v9, v28;
	v4 =	vmovc v5;
	v5 =	vmov v55;
	v46 =	vld.idx.msk [tilespmem:v62+s15+$0x0], $0xffff;
	v44 =	vadd.f32 v44, v16  }
0xfe: {  	v32 =	vperm.xlane v47, v49;
	v49 =	vld.idx.msk [tilespmem:v45+s15+$0x0], $0xffff;
	[tilespmem:v58+s19+$0x0] =	vst.idx.msk $0xffff, v0;
	v0 =	vadd.f32 v42, v17  }
0xff: {  	v51 =	vor.u32 v57, v30;
	v35 =	vor.u32 v14, v39;
	v47 =	vld.idx.msk [tilespmem:v60+s15+$0x0], $0xffff;
	[tilespmem:v61+s19+$0x0] =	vst.idx.msk $0xffff, v44  }
0x100: {  	v38 =	vor.u32 v12, v19;
	v45 =	vor.u32 v11, v18;
	[tilespmem:v53+s19+$0x0] =	vst.idx.msk $0xffff, v0;
	v37 =	vld.idx.msk [tilespmem:v54+s15+$0x0], $0xffff  }
0x101: {  	v42 =	vor.u32 v8, v25;
	v44 =	vor.u32 v12, v39;
	v39 =	vor.u32 v11, v21;
	v48 =	vld.idx.msk [tilespmem:v63+s15+$0x0], $0xffff  }
.LBB2_5:
0x102: {  	v53 =	vor.u32 v10, v19  }
0x103: {  	s25 =	sadd.s32 $0x2, s25;
	v43 =	vmovc v25;
	v3 =	vmovc v8;
	v8 =	vmov v7;
	v55 =	vor.u32 v5, v28;
	v49 =	vadd.f32 v49, v31  }
0x104: {  	s0 =	sand.u32 $0xE, s25;
	v0 =	vadd.f32 v50, v32;
	v50 =	vor.u32 v7, v24;
	v7 =	vmovc v6;
	v6 =	vmovc v5;
	v5 =	vmov v4  }
0x105: {  	v54 =	vor.u32 v4, v29;
	v25 =	vmovc v29;
	v23 =	vlaneseq.u32;
	v29 =	vadd.s32 s0, v57;
	s0 =	sor.u32 $0x1, s0;
	v4 =	vmovc v5;
	v5 =	vld [tilespmem:$0x1FF90]  }
0x106: {  	v61 =	vmovc v2;
	v56 =	vand.u32 $0xF, v29;
	v57 =	vadd.s32 s0, v23;
	v47 =	vadd.f32 v47, v20;
	[tilespmem:v41+s19+$0x0] =	vst.idx.msk $0xffff, v49  }
0x107: {  	v63 =	vmovc v21;
	v21 =	vmovc v28;
	s26 =	sand.u32 $0x30, s25;
	v28 =	vand.u32 $0x7, v29;
	v62 =	vand.u32 $0xF, v57;
	v49 =	vand.u32 $0x7, v57;
	[tilespmem:v51+s19+$0x0] =	vst.idx.msk $0xffff, v0  }
0x108: {  	v59 =	vmovc v30;
	v0 =	vor.u32 v2, v30;
	v51 =	vor.u32 v7, v27;
	v30 =	vor.u32 s26, v56;
	v52 =	vld.idx.msk [tilespmem:v52+s15+$0x0], $0xffff  }
0x109: {  	v2 =	vmovc v61;
	v61 =	vshll.u32 v29, $0x7;
	v41 =	vor.u32 s26, v62;
	[tilespmem:v26+s19+$0x0] =	vst.idx.msk $0xffff, v47;
	v47 =	vadd.f32 v48, v17  }
0x10a: {  	v60 =	vmovc v1;
	v58 =	vmovc v27;
	v27 =	vand.u32 $0x38, v30;
	v40 =	vld.idx.msk [tilespmem:v40+s15+$0x0], $0xffff;
	v61 =	vand.u32 $0x380, v61;
	v30 =	vshll.u32 v30, $0x7  }
0x10b: {  	v1 =	vmovc v60;
	v23 =	vmovc v35;
	v35 =	vld.idx.msk [tilespmem:v53+s15+$0x0], $0xffff;
	v29 =	vor.u32 v28, v27;
	v28 =	vshll.u32 v57, $0x7;
	v30 =	vand.u32 $0x1C00, v30  }
0x10c: {  	v48 =	vmovc v16;
	v16 =	vmovc v20;
	v20 =	vmov v31;
	v28 =	vand.u32 $0x380, v28;
	v30 =	vor.u32 v61, v30  }
0x10d: {  	v31 =	vadd.f32 v52, v32;
	v60 =	vld.idx.msk [tilespmem:v5+s26+$0x0 ss:$0x1], $0xffff;
	v5 =	vand.u32 $0x38, v41;
	v41 =	vshll.u32 v41, $0x7;
	[tilespmem:v45+s19+$0x0] =	vst.idx.msk $0xffff, v47  }
0x10e: {  	v45 =	vmovc v17;
	v47 =	vor.u32 v1, v29;
	v17 =	vmovc v22;
	v27 =	vor.u32 v49, v5;
	v41 =	vand.u32 $0x1C00, v41  }
0x10f: {  	v44 =	vld.idx.msk [tilespmem:v44+s15+$0x0], $0xffff;
	v53 =	vadd.f32 v46, v17;
	[tilespmem:v0+s19+$0x0] =	vst.idx.msk $0xffff, v31;
	v49 =	vor.u32 v1, v27  }
0x110: {  	v26 =	vmovc v36;
	v0 =	vadd.f32 v40, v20;
	v31 =	vadd.f32 v35, v16;
	v28 =	vor.u32 v28, v41  }
0x111: {  	v35 =	vor.u32 v14, v43;
	v40 =	vor.u32 v4, v27;
	v46 =	vld.idx.msk [tilespmem:v54+s15+$0x0], $0xffff;
	v41 =	vor.u32 v2, v28  }
0x112: {  	v22 =	vmovc v32;
	[tilespmem:v50+s19+$0x0] =	vst.idx.msk $0xffff, v53;
	v5 =	vmovc v6;
	v6 =	vmov v7;
	v7 =	vmov v8;
	v8 =	vmov v3;
	v3 =	vld [tilespmem:$0x1FFB0]  }
0x113: {  	v36 =	vor.u32 v9, v28;
	v53 =	vor.u32 v15, v18;
	v18 =	vmovc v24;
	v61 =	vor.u32 v5, v59  }
0x114: {  	v52 =	vor.u32 v6, v25;
	v49 =	vld.idx.msk [tilespmem:v49+s15+$0x0], $0xffff;
	[tilespmem:v55+s19+$0x0] =	vst.idx.msk $0xffff, v0;
	v0 =	vadd.f32 v37, v48  }
0x115: {  	v57 =	vlaneseq.u32;
	v54 =	vor.u32 v9, v18;
	v32 =	vperm.xlane v60, v56;
	v37 =	vld.idx.msk [tilespmem:v51+s15+$0x0], $0xffff;
	[tilespmem:v39+s19+$0x0] =	vst.idx.msk $0xffff, v31  }
0x116: {  	v39 =	vadd.f32 v44, v45;
	v38 =	vld.idx.msk [tilespmem:v38+s15+$0x0], $0xffff;
	[tilespmem:v33+s19+$0x0] =	vst.idx.msk $0xffff, v0;
	v0 =	vor.u32 v57, v28  }
0x117: {  	v48 =	vor.u32 v7, v21;
	v31 =	vperm.xlane v60, v62;
	v33 =	vor.u32 v3, v27  }
0x118: {  	v42 =	vld.idx.msk [tilespmem:v42+s15+$0x0], $0xffff;
	v62 =	vadd.f32 v46, v22;
	[tilespmem:v34+s19+$0x0] =	vst.idx.msk $0xffff, v39;
	v39 =	vor.u32 v8, v58  }
0x119: {  	v46 =	vor.u32 v13, v63;
	v51 =	vor.u32 v57, v30;
	v23 =	vld.idx.msk [tilespmem:v23+s15+$0x0], $0xffff;
	v49 =	vadd.f32 v49, v31  }
0x11a: {  	[tilespmem:v61+s19+$0x0] =	vst.idx.msk $0xffff, v62;
	v61 =	vor.u32 v14, v19;
	v60 =	vadd.f32 v37, v20  }
0x11b: {  	p0 =	slt.u32 s25, $0x3E;
	v44 =	vor.u32 v12, v43;
	v50 =	vld.idx.msk [tilespmem:v47+s15+$0x0], $0xffff;
	[tilespmem:v0+s19+$0x0] =	vst.idx.msk $0xffff, v49;
	v0 =	vor.u32 v10, v43  }
.Ltmp1:
0x11c: {  	v24 =	vmov v59;
	v19 =	vmov v58;
	v62 =	vadd.f32 v38, v16;
	v49 =	vld.idx.msk [tilespmem:v33+s15+$0x0], $0xffff;
	[tilespmem:v48+s19+$0x0] =	vst.idx.msk $0xffff, v60;
	(pc) =	sbr.rel @p0 .LBB2_5-.Ltmp1, $4  }
0x11d: {  	v42 =	vadd.f32 v42, v17;
	v34 =	vor.u32 v13, v18;
	v38 =	vor.u32 v12, v19;
	v47 =	vld.idx.msk [tilespmem:v39+s15+$0x0], $0xffff  }
0x11e: {  	v33 =	vor.u32 v15, v63;
	[tilespmem:v46+s19+$0x0] =	vst.idx.msk $0xffff, v62;
	v46 =	vld.idx.msk [tilespmem:v52+s15+$0x0], $0xffff;
	v23 =	vadd.f32 v23, v45  }
0x11f: {  	[tilespmem:v54+s19+$0x0] =	vst.idx.msk $0xffff, v42;
	v52 =	vor.u32 v3, v29;
	v45 =	vor.u32 v11, v18;
	v37 =	vld.idx.msk [tilespmem:v61+s15+$0x0], $0xffff  }
0x120: {  	v42 =	vor.u32 v8, v25;
	v39 =	vor.u32 v11, v21;
	v48 =	vld.idx.msk [tilespmem:v0+s15+$0x0], $0xffff;
	[tilespmem:v53+s19+$0x0] =	vst.idx.msk $0xffff, v23  }
0x121: {  	_ =	sdelay $0x1  }
0x122: {  	v0 =	vadd.f32 v50, v32;
	_ =	sdelay $0x1  }
0x123: {  	[tilespmem:v51+s19+$0x0] =	vst.idx.msk $0xffff, v0  }
0x124: {  	v0 =	vld.idx.msk [tilespmem:v52+s15+$0x0], $0xffff;
	_ =	sdelay $0x1  }
0x125: {  	v23 =	vor.u32 v2, v30  }
0x126: {  	v43 =	vor.u32 v4, v29  }
0x127: {  	v49 =	vadd.f32 v49, v31  }
0x128: {  	v0 =	vadd.f32 v0, v32  }
0x129: {  	[tilespmem:v41+s19+$0x0] =	vst.idx.msk $0xffff, v49  }
0x12a: {  	v40 =	vld.idx.msk [tilespmem:v40+s15+$0x0], $0xffff;
	[tilespmem:v23+s19+$0x0] =	vst.idx.msk $0xffff, v0  }
0x12b: {  	v0 =	vld.idx.msk [tilespmem:v43+s15+$0x0], $0xffff  }
0x12c: {  	v59 =	vor.u32 v5, v28  }
0x12d: {  	v60 =	vor.u32 v6, v27;
	v61 =	vor.u32 v5, v30  }
0x12e: {  	v62 =	vor.u32 v6, v29  }
0x12f: {  	v40 =	vadd.f32 v40, v31  }
0x130: {  	v0 =	vadd.f32 v0, v32  }
0x131: {  	[tilespmem:v59+s19+$0x0] =	vst.idx.msk $0xffff, v40  }
0x132: {  	v23 =	vld.idx.msk [tilespmem:v60+s15+$0x0], $0xffff;
	[tilespmem:v61+s19+$0x0] =	vst.idx.msk $0xffff, v0  }
0x133: {  	v0 =	vor.u32 v7, v24;
	v63 =	vld.idx.msk [tilespmem:v62+s15+$0x0], $0xffff  }
0x134: {  	v52 =	vor.u32 v7, v28  }
0x135: {  	v53 =	vor.u32 v8, v27;
	v54 =	vor.u32 v7, v30  }
0x136: {  	v55 =	vor.u32 v8, v29;
	v46 =	vadd.f32 v46, v22  }
0x137: {  	v23 =	vadd.f32 v23, v31  }
0x138: {  	[tilespmem:v0+s19+$0x0] =	vst.idx.msk $0xffff, v46;
	v0 =	vadd.f32 v63, v32  }
0x139: {  	[tilespmem:v52+s19+$0x0] =	vst.idx.msk $0xffff, v23;
	v56 =	vld.idx.msk [tilespmem:v42+s15+$0x0], $0xffff  }
0x13a: {  	v23 =	vld.idx.msk [tilespmem:v53+s15+$0x0], $0xffff;
	[tilespmem:v54+s19+$0x0] =	vst.idx.msk $0xffff, v0  }
0x13b: {  	v58 =	vor.u32 v9, v24;
	v0 =	vor.u32 v10, v19;
	v59 =	vld.idx.msk [tilespmem:v55+s15+$0x0], $0xffff  }
0x13c: {  	v60 =	vor.u32 v10, v25  }
0x13d: {  	v61 =	vadd.f32 v47, v20;
	v62 =	vor.u32 v10, v27;
	v63 =	vor.u32 v9, v30  }
0x13e: {  	v52 =	vor.u32 v10, v29;
	v40 =	vadd.f32 v56, v22  }
0x13f: {  	[tilespmem:v26+s19+$0x0] =	vst.idx.msk $0xffff, v61;
	v23 =	vadd.f32 v23, v31  }
0x140: {  	v0 =	vld.idx.msk [tilespmem:v0+s15+$0x0], $0xffff;
	[tilespmem:v58+s19+$0x0] =	vst.idx.msk $0xffff, v40;
	v53 =	vadd.f32 v59, v32  }
0x141: {  	[tilespmem:v36+s19+$0x0] =	vst.idx.msk $0xffff, v23;
	v40 =	vld.idx.msk [tilespmem:v60+s15+$0x0], $0xffff  }
0x142: {  	v23 =	vld.idx.msk [tilespmem:v62+s15+$0x0], $0xffff;
	[tilespmem:v63+s19+$0x0] =	vst.idx.msk $0xffff, v53  }
0x143: {  	v54 =	vor.u32 v11, v24;
	v55 =	vld.idx.msk [tilespmem:v52+s15+$0x0], $0xffff  }
0x144: {  	v56 =	vadd.f32 v48, v17;
	v58 =	vor.u32 v12, v25;
	v59 =	vor.u32 v11, v28  }
0x145: {  	v61 =	vor.u32 v11, v30;
	v60 =	vor.u32 v12, v27;
	v0 =	vadd.f32 v0, v20  }
0x146: {  	v62 =	vor.u32 v12, v29;
	[tilespmem:v45+s19+$0x0] =	vst.idx.msk $0xffff, v56;
	v40 =	vadd.f32 v40, v22  }
0x147: {  	v44 =	vld.idx.msk [tilespmem:v44+s15+$0x0], $0xffff;
	[tilespmem:v39+s19+$0x0] =	vst.idx.msk $0xffff, v0;
	v0 =	vadd.f32 v23, v31  }
0x148: {  	v63 =	vld.idx.msk [tilespmem:v38+s15+$0x0], $0xffff;
	[tilespmem:v54+s19+$0x0] =	vst.idx.msk $0xffff, v40;
	v40 =	vadd.f32 v55, v32  }
0x149: {  	v45 =	vld.idx.msk [tilespmem:v58+s15+$0x0], $0xffff;
	[tilespmem:v59+s19+$0x0] =	vst.idx.msk $0xffff, v0  }
0x14a: {  	v0 =	vor.u32 v13, v21;
	v46 =	vld.idx.msk [tilespmem:v60+s15+$0x0], $0xffff;
	[tilespmem:v61+s19+$0x0] =	vst.idx.msk $0xffff, v40  }
0x14b: {  	v47 =	vor.u32 v14, v19;
	v48 =	vor.u32 v13, v24;
	v49 =	vld.idx.msk [tilespmem:v62+s15+$0x0], $0xffff  }
0x14c: {  	v51 =	vor.u32 v14, v25;
	v52 =	vor.u32 v13, v28;
	v50 =	vadd.f32 v44, v17  }
0x14d: {  	v53 =	vor.u32 v14, v27;
	v54 =	vor.u32 v13, v30;
	v23 =	vadd.f32 v63, v20  }
0x14e: {  	v56 =	vor.u32 v14, v29;
	[tilespmem:v34+s19+$0x0] =	vst.idx.msk $0xffff, v50;
	v55 =	vadd.f32 v45, v22  }
0x14f: {  	v35 =	vld.idx.msk [tilespmem:v35+s15+$0x0], $0xffff;
	[tilespmem:v0+s19+$0x0] =	vst.idx.msk $0xffff, v23;
	v0 =	vadd.f32 v46, v31  }
0x150: {  	v19 =	vld.idx.msk [tilespmem:v47+s15+$0x0], $0xffff;
	[tilespmem:v48+s19+$0x0] =	vst.idx.msk $0xffff, v55;
	v58 =	vadd.f32 v49, v32  }
0x151: {  	v18 =	vor.u32 v15, v18;
	v25 =	vld.idx.msk [tilespmem:v51+s15+$0x0], $0xffff;
	[tilespmem:v52+s19+$0x0] =	vst.idx.msk $0xffff, v0  }
0x152: {  	v0 =	vor.u32 v15, v21;
	v59 =	vld.idx.msk [tilespmem:v53+s15+$0x0], $0xffff;
	[tilespmem:v54+s19+$0x0] =	vst.idx.msk $0xffff, v58  }
0x153: {  	v16 =	vadd.f32 v37, v16;
	v60 =	vor.u32 v15, v24;
	v61 =	vld.idx.msk [tilespmem:v56+s15+$0x0], $0xffff  }
0x154: {  	v62 =	vor.u32 v15, v28;
	v17 =	vadd.f32 v35, v17  }
0x155: {  	s23 =	sadd.s32 $0x1, s23;
	[tilespmem:v33+s19+$0x0] =	vst.idx.msk $0xffff, v16;
	v63 =	vor.u32 v15, v30;
	v16 =	vadd.f32 v19, v20  }
0x156: {  	p0 =	sne.s32 s23, $0x64;
	[tilespmem:v18+s19+$0x0] =	vst.idx.msk $0xffff, v17;
	v17 =	vadd.f32 v25, v22  }
.Ltmp2:
0x157: {  	s0 =	sshll.u32 s24, $0x12;
	[tilespmem:v0+s19+$0x0] =	vst.idx.msk $0xffff, v16;
	v0 =	vadd.f32 v59, v31;
	(pc) =	sbr.rel @p0 .LBB2_2-.Ltmp2, $4  }
0x158: {  	s0 =	sor.u32 s4, s0;
	[tilespmem:v60+s19+$0x0] =	vst.idx.msk $0xffff, v17;
	v16 =	vadd.f32 v61, v32  }
0x159: {  	s0 =	sshrl.u32 s0, $0x3;
	[tilespmem:v62+s19+$0x0] =	vst.idx.msk $0xffff, v0  }
0x15a: {  	s0 =	sadd.s32 s2, s0;
	[tilespmem:v63+s19+$0x0] =	vst.idx.msk $0xffff, v16  }
0x15b: {  	[hbm4b:s0+s11] =	stream.strided.scatter [tilespmem:s19], [sflag:$0x4], $0x2000, s12, s11, $0x38;
	[tilespmem:$0x11600] =	vst v63  }
0x15c: {  	s22 =	sadd.s32 $0x1, s22  }
0x15d: {  	_ =	swait.ge [sflag:s20], $0x2000;
	p0 =	sne.s32 s22, s8  }
.Ltmp3:
0x15e: {  	[sflag:s20] =	ssyncset.done $0x0;
	(pc) =	sbr.rel @p0 .LBB2_1-.Ltmp3, $4  }
0x15f: {  	[sflag:s20] =	ssyncadd.s32 $0xFFFFE000  }
0x160: {  	_ =	swait.ge [sflag:s21], $0x2000  }
0x161: {  	[sflag:s21] =	ssyncset.done $0x0  }
0x162: {  	[sflag:s21] =	ssyncadd.s32 $0xFFFFE000  }
0x163: {  	_ =	sfence.sel $0x180000  }
0x164: {  	[bflag:$0x0] =	sbarrier.arrive $0xFFFF  }
0x165: {  	_ =	strace $0x90000047  }
0x166: {  	[bflag:$0x2] =	sbarrier.arrive $0xFFFF  }
0x167: {  	p0 =	sne.s32 s1, $0x0;
	s0 =	rddreg [dreg:$0x3]  }
0x168: {  	s0 =	sadd.s32 @!p0 $0x100000, s0  }
0x169: {  	[sflag:s0] =	ssyncadd.tile.s32 @!p0 $0x1;
	_ =	shalt  }
.Lfunc_end2:
_tile_overlayer_lowered:
.L_overlay_start_2:
0x16a: {  	(tag) =	ssettag $0x2  }
0x16b: {  	s0 =	rddreg [dreg:$0x0];
	s2 =	stileid.u32  }
0x16c: {  	s1 =	rddreg [dreg:$0x1];
	p0 =	sne.s32 s2, $0x0  }
0x16d: {  	s3 =	rddreg [dreg:$0x2];
	[bflag:$0x3] =	sbarrier.arrive $0xFFFF;
	s2 =	simm.s32 @!p0 $0x1C05  }
0x16e: {  	[timem:s3], [sflag:s2] =	dma.local @!p0 [hbm:s0], s1  }
0x16f: {  	s0 =	simm.s32 @!p0 $0x5  }
0x170: {  	_ =	swait.ge @!p0 [sflag:s0], s1  }
0x171: {  	s1 =	ssub.s32 @!p0 $0x0, s1;
	[sflag:s0] =	ssyncset.done @!p0 $0x0  }
0x172: {  	[sflag:s0] =	ssyncadd.s32 @!p0 s1  }
0x173: {  	[bflag:$0x3] =	sbarrier.arrive $0xFFFF  }
0x174: {  	_ =	shalt  }

</sc_bundles>
